<compile_context>
chip_gen: v7x
topology: tpu7x:2x2x1
jax: 0.10.2.dev20260603
libtpu: 0.0.44.dev20260713+nightly
codegen_flags: <defaults>
</compile_context>

<pallas_src>
import functools

import jax
import jax.numpy as jnp
from jax import lax
from jax.experimental import pallas as pl
from jax.experimental.pallas import tpu as pltpu
from jax.experimental.pallas import tpu_sc as plsc

N = 10000
E = 320000
ND = 128
ED = 16
H = 128

NC = 2
NS = 16
NW = NC * NS
EPW = E // NW
BLK = 80
NBLK = EPW // BLK
NPT = 624
NTAIL = N - NPT * NS

_SQRT_HALF = 0.7071067811865476


def _gelu(x):
    return 0.5 * x * (1.0 + lax.erf(x * _SQRT_HALF))


def _pre_body(x_ref, w1a_ref, w1b_ref, a_ref, b_ref):
    x = x_ref[...]
    a_ref[...] = jnp.dot(x, w1a_ref[...], preferred_element_type=jnp.float32)
    b_ref[...] = jnp.dot(x, w1b_ref[...], preferred_element_type=jnp.float32)


def _tc_pre(x, w1a, w1b):
    return pl.pallas_call(
        _pre_body,
        out_shape=(
            jax.ShapeDtypeStruct((N, H), jnp.float32),
            jax.ShapeDtypeStruct((N, H), jnp.float32),
        ),
    )(x, w1a, w1b)


def _sc_gather_body(a_hbm, b_hbm, src_hbm, dst_hbm, out_hbm,
                    sidx, didx, arows, brows, sema, semb):
    wid = lax.axis_index("s") * NC + lax.axis_index("c")
    base = wid * EPW

    def block(i, carry):
        off = base + i * BLK
        pltpu.sync_copy(src_hbm.at[pl.ds(off, BLK)], sidx)
        pltpu.sync_copy(dst_hbm.at[pl.ds(off, BLK)], didx)
        ca = pltpu.async_copy(a_hbm.at[sidx], arows, sema)
        cb = pltpu.async_copy(b_hbm.at[didx], brows, semb)
        ca.wait()
        cb.wait()

        def row(e, c2):
            for j in range(H // 16):
                sl = pl.ds(j * 16, 16)
                arows[e, sl] = arows[e, sl] + brows[e, sl]
            return c2

        lax.fori_loop(0, BLK, row, 0)
        pltpu.sync_copy(arows, out_hbm.at[pl.ds(off, BLK)])
        return carry

    lax.fori_loop(0, NBLK, block, 0)


_sc_gather = functools.partial(
    pl.kernel,
    out_type=jax.ShapeDtypeStruct((E, H), jnp.float32),
    mesh=plsc.VectorSubcoreMesh(core_axis_name="c", subcore_axis_name="s"),
    scratch_types=[
        pltpu.VMEM((BLK,), jnp.int32),
        pltpu.VMEM((BLK,), jnp.int32),
        pltpu.VMEM((BLK, H), jnp.float32),
        pltpu.VMEM((BLK, H), jnp.float32),
        pltpu.SemaphoreType.DMA,
        pltpu.SemaphoreType.DMA,
    ],
)(_sc_gather_body)


TB = 2560


def _msg_body(g_ref, ef_ref, w1c_ref, b1_ref, w2_ref, b2_ref, m_ref):
    h = (g_ref[...]
         + jnp.dot(ef_ref[...], w1c_ref[...], preferred_element_type=jnp.float32)
         + b1_ref[...])
    h = _gelu(h)
    m = jnp.dot(h, w2_ref[...], preferred_element_type=jnp.float32) + b2_ref[...]
    m_ref[...] = _gelu(m)


def _tc_msg(g, ef, w1c, b1, w2, b2):
    return pl.pallas_call(
        _msg_body,
        grid=(E // TB,),
        in_specs=[
            pl.BlockSpec((TB, H), lambda i: (i, 0)),
            pl.BlockSpec((TB, ED), lambda i: (i, 0)),
            pl.BlockSpec((ED, H), lambda i: (0, 0)),
            pl.BlockSpec((1, H), lambda i: (0, 0)),
            pl.BlockSpec((H, H), lambda i: (0, 0)),
            pl.BlockSpec((1, H), lambda i: (0, 0)),
        ],
        out_specs=pl.BlockSpec((TB, H), lambda i: (i, 0)),
        out_shape=jax.ShapeDtypeStruct((E, H), jnp.float32),
        compiler_params=pltpu.CompilerParams(
            dimension_semantics=("arbitrary",)),
    )(g, ef, w1c, b1.reshape(1, H), w2, b2.reshape(1, H))


def _sc_scatter_body(m_hbm, dst_hbm, zero_hbm, out_hbm,
                     didx, mrows, agg_sh):
    c = lax.axis_index("c")
    s = lax.axis_index("s")
    wid = s * NC + c
    base = wid * EPW

    pltpu.sync_copy(zero_hbm.at[pl.ds(s * NPT, NPT)],
                    agg_sh.at[pl.ds(s * NPT, NPT)])

    @pl.when(s == NS - 1)
    def _zero_tail():
        pltpu.sync_copy(zero_hbm.at[pl.ds(NPT * NS, NTAIL)],
                        agg_sh.at[pl.ds(NPT * NS, NTAIL)])

    plsc.subcore_barrier()

    def block(i, carry):
        off = base + i * BLK
        pltpu.sync_copy(dst_hbm.at[pl.ds(off, BLK)], didx)
        pltpu.sync_copy(m_hbm.at[pl.ds(off, BLK)], mrows)
        pltpu.sync_copy(mrows, agg_sh.at[didx], add=True)
        return carry

    lax.fori_loop(0, NBLK, block, 0)
    plsc.subcore_barrier()
    pltpu.sync_copy(agg_sh.at[pl.ds(s * NPT, NPT)],
                    out_hbm.at[c, pl.ds(s * NPT, NPT)])

    @pl.when(s == NS - 1)
    def _out_tail():
        pltpu.sync_copy(agg_sh.at[pl.ds(NPT * NS, NTAIL)],
                        out_hbm.at[c, pl.ds(NPT * NS, NTAIL)])


_sc_scatter = functools.partial(
    pl.kernel,
    out_type=jax.ShapeDtypeStruct((NC, N, H), jnp.float32),
    mesh=plsc.VectorSubcoreMesh(core_axis_name="c", subcore_axis_name="s"),
    scratch_types=[
        pltpu.VMEM((BLK,), jnp.int32),
        pltpu.VMEM((BLK, H), jnp.float32),
        pltpu.VMEM_SHARED((N, H), jnp.float32),
    ],
)(_sc_scatter_body)


def _upd_body(x_ref, p_ref, u1a_ref, u1b_ref, ub1_ref, u2_ref, ub2_ref,
              gamma_ref, beta_ref, o_ref):
    x = x_ref[...]
    agg = p_ref[0] + p_ref[1]
    u = (jnp.dot(x, u1a_ref[...], preferred_element_type=jnp.float32)
         + jnp.dot(agg, u1b_ref[...], preferred_element_type=jnp.float32)
         + ub1_ref[...])
    u = _gelu(u)
    y = x + jnp.dot(u, u2_ref[...], preferred_element_type=jnp.float32) + ub2_ref[...]
    mu = jnp.mean(y, axis=-1, keepdims=True)
    var = jnp.mean((y - mu) ** 2, axis=-1, keepdims=True)
    o_ref[...] = (y - mu) * lax.rsqrt(var + 1e-5) * gamma_ref[...] + beta_ref[...]


def _tc_upd(x, p, u1a, u1b, ub1, u2, ub2, gamma, beta):
    return pl.pallas_call(
        _upd_body,
        out_shape=jax.ShapeDtypeStruct((N, ND), jnp.float32),
    )(x, p, u1a, u1b, ub1.reshape(1, H), u2, ub2.reshape(1, ND),
      gamma.reshape(1, ND), beta.reshape(1, ND))


def kernel(node_features, edge_index, edge_features,
           W1, b1, W2, b2, U1, ub1, U2, ub2, gamma, beta):
    src = edge_index[0].astype(jnp.int32)
    dst = edge_index[1].astype(jnp.int32)
    w1a = W1[:ND]
    w1b = W1[ND:2 * ND]
    w1c = W1[2 * ND:]

    a, b = _tc_pre(node_features, w1a, w1b)
    g = _sc_gather(a, b, src, dst)
    m = _tc_msg(g, edge_features, w1c, b1, W2, b2)
    zeros = jnp.zeros((N, H), dtype=jnp.float32)
    partials = _sc_scatter(m, dst, zeros)
    return _tc_upd(node_features, partials, U1[:ND], U1[ND:], ub1,
                   U2, ub2, gamma, beta)

# --- scband reference (transcript-rebuilt; emitter-appended) ---
"""Pipeline reference for scband-protein-graph-conv-84241488544324 (READ-ONLY COPY).

The authoritative reference and input builder live on the scoring server;
editing this copy changes nothing except your own understanding.
"""

import jax, jax.numpy as jnp
import numpy as np

N = 10000
E = 320000
NODE_DIM = 128
EDGE_DIM = 16
HIDDEN = 128


def _glorot(key, shape):
    fan_in, fan_out = shape[0], shape[1]
    limit = float(np.sqrt(6.0 / (fan_in + fan_out)))
    return jax.random.uniform(key, shape, dtype=jnp.float32, minval=-limit, maxval=limit)


def setup_inputs(seed: int = 0) -> dict:
    key = jax.random.key(seed)
    ks = jax.random.split(key, 12)
    node_features = jax.random.normal(ks[0], (N, NODE_DIM), dtype=jnp.float32)
    edge_index = jax.random.randint(ks[1], (2, E), 0, N, dtype=jnp.int64)
    edge_features = jax.random.normal(ks[2], (E, EDGE_DIM), dtype=jnp.float32)
    # message MLP params
    W1 = _glorot(ks[3], (2 * NODE_DIM + EDGE_DIM, HIDDEN))
    b1 = jnp.zeros((HIDDEN,), dtype=jnp.float32)
    W2 = _glorot(ks[4], (HIDDEN, HIDDEN))
    b2 = jnp.zeros((HIDDEN,), dtype=jnp.float32)
    # update MLP params
    U1 = _glorot(ks[5], (NODE_DIM + HIDDEN, HIDDEN))
    ub1 = jnp.zeros((HIDDEN,), dtype=jnp.float32)
    U2 = _glorot(ks[6], (HIDDEN, NODE_DIM))
    ub2 = jnp.zeros((NODE_DIM,), dtype=jnp.float32)
    # layer norm params
    gamma = jnp.ones((NODE_DIM,), dtype=jnp.float32)
    beta = jnp.zeros((NODE_DIM,), dtype=jnp.float32)
    return {
        "node_features": node_features,
        "edge_index": edge_index,
        "edge_features": edge_features,
        "W1": W1, "b1": b1, "W2": W2, "b2": b2,
        "U1": U1, "ub1": ub1, "U2": U2, "ub2": ub2,
        "gamma": gamma, "beta": beta,
    }


def _layer_norm(x, gamma, beta, eps=1e-5):
    mu = jnp.mean(x, axis=-1, keepdims=True)
    var = jnp.mean((x - mu) ** 2, axis=-1, keepdims=True)
    return (x - mu) / jnp.sqrt(var + eps) * gamma + beta


def reference(node_features, edge_index, edge_features, W1, b1, W2, b2, U1, ub1, U2, ub2, gamma, beta):
    src = edge_index[0]
    dst = edge_index[1]
    # messages: m_ij = MLP([h_src, h_dst, e_ij])  (dropout inactive / rate 0)
    msg_input = jnp.concatenate([node_features[src], node_features[dst], edge_features], axis=-1)
    h = jax.nn.gelu(msg_input @ W1 + b1, approximate=False)
    messages = jax.nn.gelu(h @ W2 + b2, approximate=False)
    # scatter-add aggregation by destination node
    agg = jnp.zeros((node_features.shape[0], messages.shape[-1]), dtype=messages.dtype).at[dst].add(messages)
    # update
    update_input = jnp.concatenate([node_features, agg], axis=-1)
    u = jax.nn.gelu(update_input @ U1 + ub1, approximate=False)
    updated = node_features + (u @ U2 + ub2)
    updated = _layer_norm(updated, gamma, beta)
    return updated

if __name__ == "__main__":
    import jax
    _d = setup_inputs()
    print(jax.jit(kernel)(*tuple(_d.values())))

</pallas_src>

<mosaic_0001>
#map = affine_map<(d0, d1) -> (0, 0)>
#map1 = affine_map<(d0, d1) -> (0)>
#map2 = affine_map<(d0, d1) -> (0, 0, 0)>
module attributes {stable_mosaic.version = 14 : i64} {
  func.func @_sc_scatter_body(%arg0: i32, %arg1: i32, %arg2: memref<320000x128xf32, #tpu.memory_space<hbm>>, %arg3: memref<320000xi32, #tpu.memory_space<hbm>>, %arg4: memref<10000x128xf32, #tpu.memory_space<hbm>>, %arg5: memref<2x10000x128xf32, #tpu.memory_space<hbm>>, %arg6: memref<80xi32, #tpu.memory_space<vmem>>, %arg7: memref<80x128xf32, #tpu.memory_space<vmem>>, %arg8: memref<10000x128xf32, #tpu.memory_space<vmem_shared>>) attributes {dimension_semantics = [#tpu.dimension_semantics<core_parallel>, #tpu.dimension_semantics<subcore_parallel>], iteration_bounds = array<i64: 2, 16>, scalar_prefetch = 0 : i64, scratch_operands = 3 : i64, tpu.core_type = #tpu.core_type<sc_vector_subcore>, window_params = [{transform_indices = #map}, {transform_indices = #map1}, {transform_indices = #map}, {transform_indices = #map2}]} {
    %mul3A = arith.constant 2 : i32
    %mul3A_0 = arith.muli %arg1, %mul3A : i32
    %add3A = arith.addi %mul3A_0, %arg0 : i32
    %mul3A_1 = arith.constant 10000 : i32
    %mul3A_2 = arith.muli %add3A, %mul3A_1 : i32
    %mul3A_3 = arith.constant 624 : i32
    %mul3A_4 = arith.muli %arg1, %mul3A_3 : i32
    %mul3A_5 = arith.constant 624 : i32
    %mul3A_6 = arith.muli %arg1, %mul3A_5 : i32
    "tpu.region"() ({
      %run_scoped3A = tpu.sem_alloc : memref<!tpu.dma_semaphore, #tpu.memory_space<semaphore_mem>>
      %dma_start3A = arith.constant 0 : i32
      %dma_start3A_24 = tpu.memref_slice %arg8[%mul3A_6, %dma_start3A] : memref<10000x128xf32, #tpu.memory_space<vmem_shared>> -> memref<624x128xf32, #tpu.memory_space<vmem_shared>>
      %dma_start3A_25 = arith.constant 0 : i32
      %dma_start3A_26 = tpu.memref_slice %arg4[%mul3A_4, %dma_start3A_25] : memref<10000x128xf32, #tpu.memory_space<hbm>> -> memref<624x128xf32, #tpu.memory_space<hbm>>
      tpu.enqueue_dma source(%dma_start3A_26 : memref<624x128xf32, #tpu.memory_space<hbm>>) target(%dma_start3A_24 : memref<624x128xf32, #tpu.memory_space<vmem_shared>>) target_semaphore(%run_scoped3A : memref<!tpu.dma_semaphore, #tpu.memory_space<semaphore_mem>>)
      %dma_wait3A = arith.constant 0 : i32
      %dma_wait3A_27 = tpu.memref_slice %arg8[%mul3A_6, %dma_wait3A] : memref<10000x128xf32, #tpu.memory_space<vmem_shared>> -> memref<624x128xf32, #tpu.memory_space<vmem_shared>>
      %dma_wait3A_28 = arith.constant 0 : i32
      %dma_wait3A_29 = tpu.memref_slice %arg4[%mul3A_4, %dma_wait3A_28] : memref<10000x128xf32, #tpu.memory_space<hbm>> -> memref<624x128xf32, #tpu.memory_space<hbm>>
      tpu.wait_dma2 semaphore(%run_scoped3A : memref<!tpu.dma_semaphore, #tpu.memory_space<semaphore_mem>>) src(%dma_wait3A_29 : memref<624x128xf32, #tpu.memory_space<hbm>>) dst(%dma_wait3A_27 : memref<624x128xf32, #tpu.memory_space<vmem_shared>>)
      tpu.yield
    }) : () -> ()
    %eq3A = arith.constant 15 : i32
    %eq3A_7 = arith.cmpi eq, %arg1, %eq3A : i32
    %convert_element_type3A = arith.extui %eq3A_7 : i1 to i32
    %cond3A = arith.constant 0 : i32
    %cond3A_8 = arith.cmpi ne, %convert_element_type3A, %cond3A : i32
    scf.if %cond3A_8 {
      "tpu.region"() ({
        %run_scoped3A = tpu.sem_alloc : memref<!tpu.dma_semaphore, #tpu.memory_space<semaphore_mem>>
        %dma_start3A = arith.constant 9984 : i32
        %dma_start3A_24 = arith.constant 0 : i32
        %dma_start3A_25 = tpu.memref_slice %arg8[%dma_start3A, %dma_start3A_24] : memref<10000x128xf32, #tpu.memory_space<vmem_shared>> -> memref<16x128xf32, #tpu.memory_space<vmem_shared>>
        %dma_start3A_26 = arith.constant 9984 : i32
        %dma_start3A_27 = arith.constant 0 : i32
        %dma_start3A_28 = tpu.memref_slice %arg4[%dma_start3A_26, %dma_start3A_27] : memref<10000x128xf32, #tpu.memory_space<hbm>> -> memref<16x128xf32, #tpu.memory_space<hbm>>
        tpu.enqueue_dma source(%dma_start3A_28 : memref<16x128xf32, #tpu.memory_space<hbm>>) target(%dma_start3A_25 : memref<16x128xf32, #tpu.memory_space<vmem_shared>>) target_semaphore(%run_scoped3A : memref<!tpu.dma_semaphore, #tpu.memory_space<semaphore_mem>>)
        %dma_wait3A = arith.constant 9984 : i32
        %dma_wait3A_29 = arith.constant 0 : i32
        %dma_wait3A_30 = tpu.memref_slice %arg8[%dma_wait3A, %dma_wait3A_29] : memref<10000x128xf32, #tpu.memory_space<vmem_shared>> -> memref<16x128xf32, #tpu.memory_space<vmem_shared>>
        %dma_wait3A_31 = arith.constant 9984 : i32
        %dma_wait3A_32 = arith.constant 0 : i32
        %dma_wait3A_33 = tpu.memref_slice %arg4[%dma_wait3A_31, %dma_wait3A_32] : memref<10000x128xf32, #tpu.memory_space<hbm>> -> memref<16x128xf32, #tpu.memory_space<hbm>>
        tpu.wait_dma2 semaphore(%run_scoped3A : memref<!tpu.dma_semaphore, #tpu.memory_space<semaphore_mem>>) src(%dma_wait3A_33 : memref<16x128xf32, #tpu.memory_space<hbm>>) dst(%dma_wait3A_30 : memref<16x128xf32, #tpu.memory_space<vmem_shared>>)
        tpu.yield
      }) : () -> ()
    } else {
    }
    %barrier3A = arith.constant 0 : index
    tpu.barrier barrier_id(%barrier3A)
    %scan3A = arith.constant 0 : i32
    %scan3A_9 = arith.constant 0 : i32
    %scan3A_10 = arith.constant 125 : i32
    %scan3A_11 = arith.addi %scan3A_9, %scan3A_10 : i32
    %scan3A_12 = arith.constant 1 : i32
    scf.for %scan3A_24 = %scan3A_9 to %scan3A_11 step %scan3A_12  : i32 {
      %mul3A_25 = arith.constant 80 : i32
      %mul3A_26 = arith.muli %scan3A_24, %mul3A_25 : i32
      %add3A_27 = arith.addi %mul3A_2, %mul3A_26 : i32
      "tpu.region"() ({
        %run_scoped3A = tpu.sem_alloc : memref<!tpu.dma_semaphore, #tpu.memory_space<semaphore_mem>>
        %dma_start3A = tpu.memref_slice %arg3[%add3A_27] : memref<320000xi32, #tpu.memory_space<hbm>> -> memref<80xi32, #tpu.memory_space<hbm>>
        %dma_start3A_28 = tpu.memref_slice %arg3[%add3A_27] : memref<320000xi32, #tpu.memory_space<hbm>> -> memref<80xi32, #tpu.memory_space<hbm>>
        tpu.enqueue_dma source(%dma_start3A_28 : memref<80xi32, #tpu.memory_space<hbm>>) target(%arg6 : memref<80xi32, #tpu.memory_space<vmem>>) target_semaphore(%run_scoped3A : memref<!tpu.dma_semaphore, #tpu.memory_space<semaphore_mem>>)
        %dma_wait3A = tpu.memref_slice %arg3[%add3A_27] : memref<320000xi32, #tpu.memory_space<hbm>> -> memref<80xi32, #tpu.memory_space<hbm>>
        %dma_wait3A_29 = tpu.memref_slice %arg3[%add3A_27] : memref<320000xi32, #tpu.memory_space<hbm>> -> memref<80xi32, #tpu.memory_space<hbm>>
        tpu.wait_dma2 semaphore(%run_scoped3A : memref<!tpu.dma_semaphore, #tpu.memory_space<semaphore_mem>>) src(%dma_wait3A_29 : memref<80xi32, #tpu.memory_space<hbm>>) dst(%arg6 : memref<80xi32, #tpu.memory_space<vmem>>)
        tpu.yield
      }) : () -> ()
      "tpu.region"() ({
        %run_scoped3A = tpu.sem_alloc : memref<!tpu.dma_semaphore, #tpu.memory_space<semaphore_mem>>
        %dma_start3A = arith.constant 0 : i32
        %dma_start3A_28 = tpu.memref_slice %arg2[%add3A_27, %dma_start3A] : memref<320000x128xf32, #tpu.memory_space<hbm>> -> memref<80x128xf32, #tpu.memory_space<hbm>>
        %dma_start3A_29 = arith.constant 0 : i32
        %dma_start3A_30 = tpu.memref_slice %arg2[%add3A_27, %dma_start3A_29] : memref<320000x128xf32, #tpu.memory_space<hbm>> -> memref<80x128xf32, #tpu.memory_space<hbm>>
        tpu.enqueue_dma source(%dma_start3A_30 : memref<80x128xf32, #tpu.memory_space<hbm>>) target(%arg7 : memref<80x128xf32, #tpu.memory_space<vmem>>) target_semaphore(%run_scoped3A : memref<!tpu.dma_semaphore, #tpu.memory_space<semaphore_mem>>)
        %dma_wait3A = arith.constant 0 : i32
        %dma_wait3A_31 = tpu.memref_slice %arg2[%add3A_27, %dma_wait3A] : memref<320000x128xf32, #tpu.memory_space<hbm>> -> memref<80x128xf32, #tpu.memory_space<hbm>>
        %dma_wait3A_32 = arith.constant 0 : i32
        %dma_wait3A_33 = tpu.memref_slice %arg2[%add3A_27, %dma_wait3A_32] : memref<320000x128xf32, #tpu.memory_space<hbm>> -> memref<80x128xf32, #tpu.memory_space<hbm>>
        tpu.wait_dma2 semaphore(%run_scoped3A : memref<!tpu.dma_semaphore, #tpu.memory_space<semaphore_mem>>) src(%dma_wait3A_33 : memref<80x128xf32, #tpu.memory_space<hbm>>) dst(%arg7 : memref<80x128xf32, #tpu.memory_space<vmem>>)
        tpu.yield
      }) : () -> ()
      "tpu.region"() ({
        %run_scoped3A = tpu.sem_alloc : memref<!tpu.dma_semaphore, #tpu.memory_space<semaphore_mem>>
        %dma_start3A = arith.constant 0 : i32
        %dma_start3A_28 = arith.constant 0 : i32
        %dma_start3A_29 = tpu.memref_slice %arg8[%dma_start3A, %dma_start3A_28] : memref<10000x128xf32, #tpu.memory_space<vmem_shared>> -> memref<10000x128xf32, #tpu.memory_space<vmem_shared>>
        tpu.enqueue_indirect_dma source(%arg7 : memref<80x128xf32, #tpu.memory_space<vmem>>) target(%dma_start3A_29 : memref<10000x128xf32, #tpu.memory_space<vmem_shared>>) offsets(%arg6 : memref<80xi32, #tpu.memory_space<vmem>>) semaphore(%run_scoped3A : memref<!tpu.dma_semaphore, #tpu.memory_space<semaphore_mem>>) {add = true}
        %dma_wait3A = arith.constant 0 : i32
        %dma_wait3A_30 = arith.constant 0 : i32
        %dma_wait3A_31 = tpu.memref_slice %arg8[%dma_wait3A, %dma_wait3A_30] : memref<10000x128xf32, #tpu.memory_space<vmem_shared>> -> memref<10000x128xf32, #tpu.memory_space<vmem_shared>>
        tpu.wait_indirect_dma semaphore(%run_scoped3A : memref<!tpu.dma_semaphore, #tpu.memory_space<semaphore_mem>>) src(%arg7 : memref<80x128xf32, #tpu.memory_space<vmem>>) dst(%dma_wait3A_31 : memref<10000x128xf32, #tpu.memory_space<vmem_shared>>)
        tpu.yield
      }) : () -> ()
    }
    %scan3A_13 = arith.constant 125 : i32
    %barrier3A_14 = arith.constant 0 : index
    tpu.barrier barrier_id(%barrier3A_14)
    %mul3A_15 = arith.constant 624 : i32
    %mul3A_16 = arith.muli %arg1, %mul3A_15 : i32
    %mul3A_17 = arith.constant 624 : i32
    %mul3A_18 = arith.muli %arg1, %mul3A_17 : i32
    "tpu.region"() ({
      %run_scoped3A = tpu.sem_alloc : memref<!tpu.dma_semaphore, #tpu.memory_space<semaphore_mem>>
      %dma_start3A = arith.constant 0 : i32
      %dma_start3A_24 = tpu.memref_slice %arg5[%arg0, %mul3A_18, %dma_start3A] : memref<2x10000x128xf32, #tpu.memory_space<hbm>> -> memref<1x624x128xf32, #tpu.memory_space<hbm>>
      %dma_start3A_25 = tpu.memref_squeeze %dma_start3A_24 : memref<1x624x128xf32, #tpu.memory_space<hbm>> -> memref<624x128xf32, #tpu.memory_space<hbm>>
      %dma_start3A_26 = arith.constant 0 : i32
      %dma_start3A_27 = tpu.memref_slice %arg8[%mul3A_16, %dma_start3A_26] : memref<10000x128xf32, #tpu.memory_space<vmem_shared>> -> memref<624x128xf32, #tpu.memory_space<vmem_shared>>
      tpu.enqueue_dma source(%dma_start3A_27 : memref<624x128xf32, #tpu.memory_space<vmem_shared>>) target(%dma_start3A_25 : memref<624x128xf32, #tpu.memory_space<hbm>>) target_semaphore(%run_scoped3A : memref<!tpu.dma_semaphore, #tpu.memory_space<semaphore_mem>>)
      %dma_wait3A = arith.constant 0 : i32
      %dma_wait3A_28 = tpu.memref_slice %arg5[%arg0, %mul3A_18, %dma_wait3A] : memref<2x10000x128xf32, #tpu.memory_space<hbm>> -> memref<1x624x128xf32, #tpu.memory_space<hbm>>
      %dma_wait3A_29 = tpu.memref_squeeze %dma_wait3A_28 : memref<1x624x128xf32, #tpu.memory_space<hbm>> -> memref<624x128xf32, #tpu.memory_space<hbm>>
      %dma_wait3A_30 = arith.constant 0 : i32
      %dma_wait3A_31 = tpu.memref_slice %arg8[%mul3A_16, %dma_wait3A_30] : memref<10000x128xf32, #tpu.memory_space<vmem_shared>> -> memref<624x128xf32, #tpu.memory_space<vmem_shared>>
      tpu.wait_dma2 semaphore(%run_scoped3A : memref<!tpu.dma_semaphore, #tpu.memory_space<semaphore_mem>>) src(%dma_wait3A_31 : memref<624x128xf32, #tpu.memory_space<vmem_shared>>) dst(%dma_wait3A_29 : memref<624x128xf32, #tpu.memory_space<hbm>>)
      tpu.yield
    }) : () -> ()
    %eq3A_19 = arith.constant 15 : i32
    %eq3A_20 = arith.cmpi eq, %arg1, %eq3A_19 : i32
    %convert_element_type3A_21 = arith.extui %eq3A_20 : i1 to i32
    %cond3A_22 = arith.constant 0 : i32
    %cond3A_23 = arith.cmpi ne, %convert_element_type3A_21, %cond3A_22 : i32
    scf.if %cond3A_23 {
      "tpu.region"() ({
        %run_scoped3A = tpu.sem_alloc : memref<!tpu.dma_semaphore, #tpu.memory_space<semaphore_mem>>
        %dma_start3A = arith.constant 9984 : i32
        %dma_start3A_24 = arith.constant 0 : i32
        %dma_start3A_25 = tpu.memref_slice %arg5[%arg0, %dma_start3A, %dma_start3A_24] : memref<2x10000x128xf32, #tpu.memory_space<hbm>> -> memref<1x16x128xf32, #tpu.memory_space<hbm>>
        %dma_start3A_26 = tpu.memref_squeeze %dma_start3A_25 : memref<1x16x128xf32, #tpu.memory_space<hbm>> -> memref<16x128xf32, #tpu.memory_space<hbm>>
        %dma_start3A_27 = arith.constant 9984 : i32
        %dma_start3A_28 = arith.constant 0 : i32
        %dma_start3A_29 = tpu.memref_slice %arg8[%dma_start3A_27, %dma_start3A_28] : memref<10000x128xf32, #tpu.memory_space<vmem_shared>> -> memref<16x128xf32, #tpu.memory_space<vmem_shared>>
        tpu.enqueue_dma source(%dma_start3A_29 : memref<16x128xf32, #tpu.memory_space<vmem_shared>>) target(%dma_start3A_26 : memref<16x128xf32, #tpu.memory_space<hbm>>) target_semaphore(%run_scoped3A : memref<!tpu.dma_semaphore, #tpu.memory_space<semaphore_mem>>)
        %dma_wait3A = arith.constant 9984 : i32
        %dma_wait3A_30 = arith.constant 0 : i32
        %dma_wait3A_31 = tpu.memref_slice %arg5[%arg0, %dma_wait3A, %dma_wait3A_30] : memref<2x10000x128xf32, #tpu.memory_space<hbm>> -> memref<1x16x128xf32, #tpu.memory_space<hbm>>
        %dma_wait3A_32 = tpu.memref_squeeze %dma_wait3A_31 : memref<1x16x128xf32, #tpu.memory_space<hbm>> -> memref<16x128xf32, #tpu.memory_space<hbm>>
        %dma_wait3A_33 = arith.constant 9984 : i32
        %dma_wait3A_34 = arith.constant 0 : i32
        %dma_wait3A_35 = tpu.memref_slice %arg8[%dma_wait3A_33, %dma_wait3A_34] : memref<10000x128xf32, #tpu.memory_space<vmem_shared>> -> memref<16x128xf32, #tpu.memory_space<vmem_shared>>
        tpu.wait_dma2 semaphore(%run_scoped3A : memref<!tpu.dma_semaphore, #tpu.memory_space<semaphore_mem>>) src(%dma_wait3A_35 : memref<16x128xf32, #tpu.memory_space<vmem_shared>>) dst(%dma_wait3A_32 : memref<16x128xf32, #tpu.memory_space<hbm>>)
        tpu.yield
      }) : () -> ()
    } else {
    }
    return
  }
}

#map = affine_map<(d0, d1) -> (0, 0)>
#map1 = affine_map<(d0, d1) -> (0)>
module attributes {stable_mosaic.version = 14 : i64} {
  func.func @_sc_gather_body(%arg0: i32, %arg1: i32, %arg2: memref<10000x128xf32, #tpu.memory_space<hbm>>, %arg3: memref<10000x128xf32, #tpu.memory_space<hbm>>, %arg4: memref<320000xi32, #tpu.memory_space<hbm>>, %arg5: memref<320000xi32, #tpu.memory_space<hbm>>, %arg6: memref<320000x128xf32, #tpu.memory_space<hbm>>, %arg7: memref<80xi32, #tpu.memory_space<vmem>>, %arg8: memref<80xi32, #tpu.memory_space<vmem>>, %arg9: memref<80x128xf32, #tpu.memory_space<vmem>>, %arg10: memref<80x128xf32, #tpu.memory_space<vmem>>, %arg11: memref<!tpu.dma_semaphore, #tpu.memory_space<semaphore_mem>>, %arg12: memref<!tpu.dma_semaphore, #tpu.memory_space<semaphore_mem>>) attributes {dimension_semantics = [#tpu.dimension_semantics<core_parallel>, #tpu.dimension_semantics<subcore_parallel>], iteration_bounds = array<i64: 2, 16>, scalar_prefetch = 0 : i64, scratch_operands = 6 : i64, tpu.core_type = #tpu.core_type<sc_vector_subcore>, window_params = [{transform_indices = #map}, {transform_indices = #map}, {transform_indices = #map1}, {transform_indices = #map1}, {transform_indices = #map}]} {
    %mul3A = arith.constant 2 : i32
    %mul3A_0 = arith.muli %arg1, %mul3A : i32
    %add3A = arith.addi %mul3A_0, %arg0 : i32
    %mul3A_1 = arith.constant 10000 : i32
    %mul3A_2 = arith.muli %add3A, %mul3A_1 : i32
    %scan3A = arith.constant 0 : i32
    %scan3A_3 = arith.constant 0 : i32
    %scan3A_4 = arith.constant 125 : i32
    %scan3A_5 = arith.addi %scan3A_3, %scan3A_4 : i32
    %scan3A_6 = arith.constant 1 : i32
    scf.for %scan3A_8 = %scan3A_3 to %scan3A_5 step %scan3A_6  : i32 {
      %mul3A_9 = arith.constant 80 : i32
      %mul3A_10 = arith.muli %scan3A_8, %mul3A_9 : i32
      %add3A_11 = arith.addi %mul3A_2, %mul3A_10 : i32
      "tpu.region"() ({
        %run_scoped3A = tpu.sem_alloc : memref<!tpu.dma_semaphore, #tpu.memory_space<semaphore_mem>>
        %dma_start3A_28 = tpu.memref_slice %arg4[%add3A_11] : memref<320000xi32, #tpu.memory_space<hbm>> -> memref<80xi32, #tpu.memory_space<hbm>>
        %dma_start3A_29 = tpu.memref_slice %arg4[%add3A_11] : memref<320000xi32, #tpu.memory_space<hbm>> -> memref<80xi32, #tpu.memory_space<hbm>>
        tpu.enqueue_dma source(%dma_start3A_29 : memref<80xi32, #tpu.memory_space<hbm>>) target(%arg7 : memref<80xi32, #tpu.memory_space<vmem>>) target_semaphore(%run_scoped3A : memref<!tpu.dma_semaphore, #tpu.memory_space<semaphore_mem>>)
        %dma_wait3A_30 = tpu.memref_slice %arg4[%add3A_11] : memref<320000xi32, #tpu.memory_space<hbm>> -> memref<80xi32, #tpu.memory_space<hbm>>
        %dma_wait3A_31 = tpu.memref_slice %arg4[%add3A_11] : memref<320000xi32, #tpu.memory_space<hbm>> -> memref<80xi32, #tpu.memory_space<hbm>>
        tpu.wait_dma2 semaphore(%run_scoped3A : memref<!tpu.dma_semaphore, #tpu.memory_space<semaphore_mem>>) src(%dma_wait3A_31 : memref<80xi32, #tpu.memory_space<hbm>>) dst(%arg7 : memref<80xi32, #tpu.memory_space<vmem>>)
        tpu.yield
      }) : () -> ()
      "tpu.region"() ({
        %run_scoped3A = tpu.sem_alloc : memref<!tpu.dma_semaphore, #tpu.memory_space<semaphore_mem>>
        %dma_start3A_28 = tpu.memref_slice %arg5[%add3A_11] : memref<320000xi32, #tpu.memory_space<hbm>> -> memref<80xi32, #tpu.memory_space<hbm>>
        %dma_start3A_29 = tpu.memref_slice %arg5[%add3A_11] : memref<320000xi32, #tpu.memory_space<hbm>> -> memref<80xi32, #tpu.memory_space<hbm>>
        tpu.enqueue_dma source(%dma_start3A_29 : memref<80xi32, #tpu.memory_space<hbm>>) target(%arg8 : memref<80xi32, #tpu.memory_space<vmem>>) target_semaphore(%run_scoped3A : memref<!tpu.dma_semaphore, #tpu.memory_space<semaphore_mem>>)
        %dma_wait3A_30 = tpu.memref_slice %arg5[%add3A_11] : memref<320000xi32, #tpu.memory_space<hbm>> -> memref<80xi32, #tpu.memory_space<hbm>>
        %dma_wait3A_31 = tpu.memref_slice %arg5[%add3A_11] : memref<320000xi32, #tpu.memory_space<hbm>> -> memref<80xi32, #tpu.memory_space<hbm>>
        tpu.wait_dma2 semaphore(%run_scoped3A : memref<!tpu.dma_semaphore, #tpu.memory_space<semaphore_mem>>) src(%dma_wait3A_31 : memref<80xi32, #tpu.memory_space<hbm>>) dst(%arg8 : memref<80xi32, #tpu.memory_space<vmem>>)
        tpu.yield
      }) : () -> ()
      %dma_start3A = arith.constant 0 : i32
      %dma_start3A_12 = arith.constant 0 : i32
      %dma_start3A_13 = tpu.memref_slice %arg2[%dma_start3A, %dma_start3A_12] : memref<10000x128xf32, #tpu.memory_space<hbm>> -> memref<10000x128xf32, #tpu.memory_space<hbm>>
      tpu.enqueue_indirect_dma source(%dma_start3A_13 : memref<10000x128xf32, #tpu.memory_space<hbm>>) target(%arg9 : memref<80x128xf32, #tpu.memory_space<vmem>>) offsets(%arg7 : memref<80xi32, #tpu.memory_space<vmem>>) semaphore(%arg11 : memref<!tpu.dma_semaphore, #tpu.memory_space<semaphore_mem>>)
      %dma_start3A_14 = arith.constant 0 : i32
      %dma_start3A_15 = arith.constant 0 : i32
      %dma_start3A_16 = tpu.memref_slice %arg3[%dma_start3A_14, %dma_start3A_15] : memref<10000x128xf32, #tpu.memory_space<hbm>> -> memref<10000x128xf32, #tpu.memory_space<hbm>>
      tpu.enqueue_indirect_dma source(%dma_start3A_16 : memref<10000x128xf32, #tpu.memory_space<hbm>>) target(%arg10 : memref<80x128xf32, #tpu.memory_space<vmem>>) offsets(%arg8 : memref<80xi32, #tpu.memory_space<vmem>>) semaphore(%arg12 : memref<!tpu.dma_semaphore, #tpu.memory_space<semaphore_mem>>)
      %dma_wait3A = arith.constant 0 : i32
      %dma_wait3A_17 = arith.constant 0 : i32
      %dma_wait3A_18 = tpu.memref_slice %arg2[%dma_wait3A, %dma_wait3A_17] : memref<10000x128xf32, #tpu.memory_space<hbm>> -> memref<10000x128xf32, #tpu.memory_space<hbm>>
      tpu.wait_indirect_dma semaphore(%arg11 : memref<!tpu.dma_semaphore, #tpu.memory_space<semaphore_mem>>) src(%dma_wait3A_18 : memref<10000x128xf32, #tpu.memory_space<hbm>>) dst(%arg9 : memref<80x128xf32, #tpu.memory_space<vmem>>)
      %dma_wait3A_19 = arith.constant 0 : i32
      %dma_wait3A_20 = arith.constant 0 : i32
      %dma_wait3A_21 = tpu.memref_slice %arg3[%dma_wait3A_19, %dma_wait3A_20] : memref<10000x128xf32, #tpu.memory_space<hbm>> -> memref<10000x128xf32, #tpu.memory_space<hbm>>
      tpu.wait_indirect_dma semaphore(%arg12 : memref<!tpu.dma_semaphore, #tpu.memory_space<semaphore_mem>>) src(%dma_wait3A_21 : memref<10000x128xf32, #tpu.memory_space<hbm>>) dst(%arg10 : memref<80x128xf32, #tpu.memory_space<vmem>>)
      %scan3A_22 = arith.constant 0 : i32
      %scan3A_23 = arith.constant 0 : i32
      %scan3A_24 = arith.constant 80 : i32
      %scan3A_25 = arith.addi %scan3A_23, %scan3A_24 : i32
      %scan3A_26 = arith.constant 1 : i32
      scf.for %scan3A_28 = %scan3A_23 to %scan3A_25 step %scan3A_26  : i32 {
        %get3A = arith.index_cast %scan3A_28 : i32 to index
        %get3A_29 = arith.constant 0 : index
        %get3A_30 = tpu.vector_load %arg9[%get3A, %get3A_29] {strides = array<i32>} : memref<80x128xf32, #tpu.memory_space<vmem>>, vector<1x16xf32>,
        %get3A_31 = vector.shape_cast %get3A_30 : vector<1x16xf32> to vector<16xf32>
        %get3A_32 = arith.index_cast %scan3A_28 : i32 to index
        %get3A_33 = arith.constant 0 : index
        %get3A_34 = tpu.vector_load %arg10[%get3A_32, %get3A_33] {strides = array<i32>} : memref<80x128xf32, #tpu.memory_space<vmem>>, vector<1x16xf32>,
        %get3A_35 = vector.shape_cast %get3A_34 : vector<1x16xf32> to vector<16xf32>
        %add3A_36 = arith.addf %get3A_31, %get3A_35 : vector<16xf32>
        %swap3A = arith.index_cast %scan3A_28 : i32 to index
        %swap3A_37 = arith.constant 0 : index
        %swap3A_38 = tpu.vector_load %arg9[%swap3A, %swap3A_37] {strides = array<i32>} : memref<80x128xf32, #tpu.memory_space<vmem>>, vector<1x16xf32>,
        %swap3A_39 = vector.shape_cast %swap3A_38 : vector<1x16xf32> to vector<16xf32>
        %swap3A_40 = vector.shape_cast %add3A_36 : vector<16xf32> to vector<1x16xf32>
        tpu.vector_store %arg9[%swap3A, %swap3A_37], %swap3A_40 {strides = array<i32>} : memref<80x128xf32, #tpu.memory_space<vmem>>, vector<1x16xf32>,
        %get3A_41 = arith.index_cast %scan3A_28 : i32 to index
        %get3A_42 = arith.constant 16 : index
        %get3A_43 = tpu.vector_load %arg9[%get3A_41, %get3A_42] {strides = array<i32>} : memref<80x128xf32, #tpu.memory_space<vmem>>, vector<1x16xf32>,
        %get3A_44 = vector.shape_cast %get3A_43 : vector<1x16xf32> to vector<16xf32>
        %get3A_45 = arith.index_cast %scan3A_28 : i32 to index
        %get3A_46 = arith.constant 16 : index
        %get3A_47 = tpu.vector_load %arg10[%get3A_45, %get3A_46] {strides = array<i32>} : memref<80x128xf32, #tpu.memory_space<vmem>>, vector<1x16xf32>,
        %get3A_48 = vector.shape_cast %get3A_47 : vector<1x16xf32> to vector<16xf32>
        %add3A_49 = arith.addf %get3A_44, %get3A_48 : vector<16xf32>
        %swap3A_50 = arith.index_cast %scan3A_28 : i32 to index
        %swap3A_51 = arith.constant 16 : index
        %swap3A_52 = tpu.vector_load %arg9[%swap3A_50, %swap3A_51] {strides = array<i32>} : memref<80x128xf32, #tpu.memory_space<vmem>>, vector<1x16xf32>,
        %swap3A_53 = vector.shape_cast %swap3A_52 : vector<1x16xf32> to vector<16xf32>
        %swap3A_54 = vector.shape_cast %add3A_49 : vector<16xf32> to vector<1x16xf32>
        tpu.vector_store %arg9[%swap3A_50, %swap3A_51], %swap3A_54 {strides = array<i32>} : memref<80x128xf32, #tpu.memory_space<vmem>>, vector<1x16xf32>,
        %get3A_55 = arith.index_cast %scan3A_28 : i32 to index
        %get3A_56 = arith.constant 32 : index
        %get3A_57 = tpu.vector_load %arg9[%get3A_55, %get3A_56] {strides = array<i32>} : memref<80x128xf32, #tpu.memory_space<vmem>>, vector<1x16xf32>,
        %get3A_58 = vector.shape_cast %get3A_57 : vector<1x16xf32> to vector<16xf32>
        %get3A_59 = arith.index_cast %scan3A_28 : i32 to index
        %get3A_60 = arith.constant 32 : index
        %get3A_61 = tpu.vector_load %arg10[%get3A_59, %get3A_60] {strides = array<i32>} : memref<80x128xf32, #tpu.memory_space<vmem>>, vector<1x16xf32>,
        %get3A_62 = vector.shape_cast %get3A_61 : vector<1x16xf32> to vector<16xf32>
        %add3A_63 = arith.addf %get3A_58, %get3A_62 : vector<16xf32>
        %swap3A_64 = arith.index_cast %scan3A_28 : i32 to index
        %swap3A_65 = arith.constant 32 : index
        %swap3A_66 = tpu.vector_load %arg9[%swap3A_64, %swap3A_65] {strides = array<i32>} : memref<80x128xf32, #tpu.memory_space<vmem>>, vector<1x16xf32>,
        %swap3A_67 = vector.shape_cast %swap3A_66 : vector<1x16xf32> to vector<16xf32>
        %swap3A_68 = vector.shape_cast %add3A_63 : vector<16xf32> to vector<1x16xf32>
        tpu.vector_store %arg9[%swap3A_64, %swap3A_65], %swap3A_68 {strides = array<i32>} : memref<80x128xf32, #tpu.memory_space<vmem>>, vector<1x16xf32>,
        %get3A_69 = arith.index_cast %scan3A_28 : i32 to index
        %get3A_70 = arith.constant 48 : index
        %get3A_71 = tpu.vector_load %arg9[%get3A_69, %get3A_70] {strides = array<i32>} : memref<80x128xf32, #tpu.memory_space<vmem>>, vector<1x16xf32>,
        %get3A_72 = vector.shape_cast %get3A_71 : vector<1x16xf32> to vector<16xf32>
        %get3A_73 = arith.index_cast %scan3A_28 : i32 to index
        %get3A_74 = arith.constant 48 : index
        %get3A_75 = tpu.vector_load %arg10[%get3A_73, %get3A_74] {strides = array<i32>} : memref<80x128xf32, #tpu.memory_space<vmem>>, vector<1x16xf32>,
        %get3A_76 = vector.shape_cast %get3A_75 : vector<1x16xf32> to vector<16xf32>
        %add3A_77 = arith.addf %get3A_72, %get3A_76 : vector<16xf32>
        %swap3A_78 = arith.index_cast %scan3A_28 : i32 to index
        %swap3A_79 = arith.constant 48 : index
        %swap3A_80 = tpu.vector_load %arg9[%swap3A_78, %swap3A_79] {strides = array<i32>} : memref<80x128xf32, #tpu.memory_space<vmem>>, vector<1x16xf32>,
        %swap3A_81 = vector.shape_cast %swap3A_80 : vector<1x16xf32> to vector<16xf32>
        %swap3A_82 = vector.shape_cast %add3A_77 : vector<16xf32> to vector<1x16xf32>
        tpu.vector_store %arg9[%swap3A_78, %swap3A_79], %swap3A_82 {strides = array<i32>} : memref<80x128xf32, #tpu.memory_space<vmem>>, vector<1x16xf32>,
        %get3A_83 = arith.index_cast %scan3A_28 : i32 to index
        %get3A_84 = arith.constant 64 : index
        %get3A_85 = tpu.vector_load %arg9[%get3A_83, %get3A_84] {strides = array<i32>} : memref<80x128xf32, #tpu.memory_space<vmem>>, vector<1x16xf32>,
        %get3A_86 = vector.shape_cast %get3A_85 : vector<1x16xf32> to vector<16xf32>
        %get3A_87 = arith.index_cast %scan3A_28 : i32 to index
        %get3A_88 = arith.constant 64 : index
        %get3A_89 = tpu.vector_load %arg10[%get3A_87, %get3A_88] {strides = array<i32>} : memref<80x128xf32, #tpu.memory_space<vmem>>, vector<1x16xf32>,
        %get3A_90 = vector.shape_cast %get3A_89 : vector<1x16xf32> to vector<16xf32>
        %add3A_91 = arith.addf %get3A_86, %get3A_90 : vector<16xf32>
        %swap3A_92 = arith.index_cast %scan3A_28 : i32 to index
        %swap3A_93 = arith.constant 64 : index
        %swap3A_94 = tpu.vector_load %arg9[%swap3A_92, %swap3A_93] {strides = array<i32>} : memref<80x128xf32, #tpu.memory_space<vmem>>, vector<1x16xf32>,
        %swap3A_95 = vector.shape_cast %swap3A_94 : vector<1x16xf32> to vector<16xf32>
        %swap3A_96 = vector.shape_cast %add3A_91 : vector<16xf32> to vector<1x16xf32>
        tpu.vector_store %arg9[%swap3A_92, %swap3A_93], %swap3A_96 {strides = array<i32>} : memref<80x128xf32, #tpu.memory_space<vmem>>, vector<1x16xf32>,
        %get3A_97 = arith.index_cast %scan3A_28 : i32 to index
        %get3A_98 = arith.constant 80 : index
        %get3A_99 = tpu.vector_load %arg9[%get3A_97, %get3A_98] {strides = array<i32>} : memref<80x128xf32, #tpu.memory_space<vmem>>, vector<1x16xf32>,
        %get3A_100 = vector.shape_cast %get3A_99 : vector<1x16xf32> to vector<16xf32>
        %get3A_101 = arith.index_cast %scan3A_28 : i32 to index
        %get3A_102 = arith.constant 80 : index
        %get3A_103 = tpu.vector_load %arg10[%get3A_101, %get3A_102] {strides = array<i32>} : memref<80x128xf32, #tpu.memory_space<vmem>>, vector<1x16xf32>,
        %get3A_104 = vector.shape_cast %get3A_103 : vector<1x16xf32> to vector<16xf32>
        %add3A_105 = arith.addf %get3A_100, %get3A_104 : vector<16xf32>
        %swap3A_106 = arith.index_cast %scan3A_28 : i32 to index
        %swap3A_107 = arith.constant 80 : index
        %swap3A_108 = tpu.vector_load %arg9[%swap3A_106, %swap3A_107] {strides = array<i32>} : memref<80x128xf32, #tpu.memory_space<vmem>>, vector<1x16xf32>,
        %swap3A_109 = vector.shape_cast %swap3A_108 : vector<1x16xf32> to vector<16xf32>
        %swap3A_110 = vector.shape_cast %add3A_105 : vector<16xf32> to vector<1x16xf32>
        tpu.vector_store %arg9[%swap3A_106, %swap3A_107], %swap3A_110 {strides = array<i32>} : memref<80x128xf32, #tpu.memory_space<vmem>>, vector<1x16xf32>,
        %get3A_111 = arith.index_cast %scan3A_28 : i32 to index
        %get3A_112 = arith.constant 96 : index
        %get3A_113 = tpu.vector_load %arg9[%get3A_111, %get3A_112] {strides = array<i32>} : memref<80x128xf32, #tpu.memory_space<vmem>>, vector<1x16xf32>,
        %get3A_114 = vector.shape_cast %get3A_113 : vector<1x16xf32> to vector<16xf32>
        %get3A_115 = arith.index_cast %scan3A_28 : i32 to index
        %get3A_116 = arith.constant 96 : index
        %get3A_117 = tpu.vector_load %arg10[%get3A_115, %get3A_116] {strides = array<i32>} : memref<80x128xf32, #tpu.memory_space<vmem>>, vector<1x16xf32>,
        %get3A_118 = vector.shape_cast %get3A_117 : vector<1x16xf32> to vector<16xf32>
        %add3A_119 = arith.addf %get3A_114, %get3A_118 : vector<16xf32>
        %swap3A_120 = arith.index_cast %scan3A_28 : i32 to index
        %swap3A_121 = arith.constant 96 : index
        %swap3A_122 = tpu.vector_load %arg9[%swap3A_120, %swap3A_121] {strides = array<i32>} : memref<80x128xf32, #tpu.memory_space<vmem>>, vector<1x16xf32>,
        %swap3A_123 = vector.shape_cast %swap3A_122 : vector<1x16xf32> to vector<16xf32>
        %swap3A_124 = vector.shape_cast %add3A_119 : vector<16xf32> to vector<1x16xf32>
        tpu.vector_store %arg9[%swap3A_120, %swap3A_121], %swap3A_124 {strides = array<i32>} : memref<80x128xf32, #tpu.memory_space<vmem>>, vector<1x16xf32>,
        %get3A_125 = arith.index_cast %scan3A_28 : i32 to index
        %get3A_126 = arith.constant 112 : index
        %get3A_127 = tpu.vector_load %arg9[%get3A_125, %get3A_126] {strides = array<i32>} : memref<80x128xf32, #tpu.memory_space<vmem>>, vector<1x16xf32>,
        %get3A_128 = vector.shape_cast %get3A_127 : vector<1x16xf32> to vector<16xf32>
        %get3A_129 = arith.index_cast %scan3A_28 : i32 to index
        %get3A_130 = arith.constant 112 : index
        %get3A_131 = tpu.vector_load %arg10[%get3A_129, %get3A_130] {strides = array<i32>} : memref<80x128xf32, #tpu.memory_space<vmem>>, vector<1x16xf32>,
        %get3A_132 = vector.shape_cast %get3A_131 : vector<1x16xf32> to vector<16xf32>
        %add3A_133 = arith.addf %get3A_128, %get3A_132 : vector<16xf32>
        %swap3A_134 = arith.index_cast %scan3A_28 : i32 to index
        %swap3A_135 = arith.constant 112 : index
        %swap3A_136 = tpu.vector_load %arg9[%swap3A_134, %swap3A_135] {strides = array<i32>} : memref<80x128xf32, #tpu.memory_space<vmem>>, vector<1x16xf32>,
        %swap3A_137 = vector.shape_cast %swap3A_136 : vector<1x16xf32> to vector<16xf32>
        %swap3A_138 = vector.shape_cast %add3A_133 : vector<16xf32> to vector<1x16xf32>
        tpu.vector_store %arg9[%swap3A_134, %swap3A_135], %swap3A_138 {strides = array<i32>} : memref<80x128xf32, #tpu.memory_space<vmem>>, vector<1x16xf32>,
      }
      %scan3A_27 = arith.constant 80 : i32
      "tpu.region"() ({
        %run_scoped3A = tpu.sem_alloc : memref<!tpu.dma_semaphore, #tpu.memory_space<semaphore_mem>>
        %dma_start3A_28 = arith.constant 0 : i32
        %dma_start3A_29 = tpu.memref_slice %arg6[%add3A_11, %dma_start3A_28] : memref<320000x128xf32, #tpu.memory_space<hbm>> -> memref<80x128xf32, #tpu.memory_space<hbm>>
        %dma_start3A_30 = arith.constant 0 : i32
        %dma_start3A_31 = tpu.memref_slice %arg6[%add3A_11, %dma_start3A_30] : memref<320000x128xf32, #tpu.memory_space<hbm>> -> memref<80x128xf32, #tpu.memory_space<hbm>>
        tpu.enqueue_dma source(%arg9 : memref<80x128xf32, #tpu.memory_space<vmem>>) target(%dma_start3A_31 : memref<80x128xf32, #tpu.memory_space<hbm>>) target_semaphore(%run_scoped3A : memref<!tpu.dma_semaphore, #tpu.memory_space<semaphore_mem>>)
        %dma_wait3A_32 = arith.constant 0 : i32
        %dma_wait3A_33 = tpu.memref_slice %arg6[%add3A_11, %dma_wait3A_32] : memref<320000x128xf32, #tpu.memory_space<hbm>> -> memref<80x128xf32, #tpu.memory_space<hbm>>
        %dma_wait3A_34 = arith.constant 0 : i32
        %dma_wait3A_35 = tpu.memref_slice %arg6[%add3A_11, %dma_wait3A_34] : memref<320000x128xf32, #tpu.memory_space<hbm>> -> memref<80x128xf32, #tpu.memory_space<hbm>>
        tpu.wait_dma2 semaphore(%run_scoped3A : memref<!tpu.dma_semaphore, #tpu.memory_space<semaphore_mem>>) src(%arg9 : memref<80x128xf32, #tpu.memory_space<vmem>>) dst(%dma_wait3A_35 : memref<80x128xf32, #tpu.memory_space<hbm>>)
        tpu.yield
      }) : () -> ()
    }
    %scan3A_7 = arith.constant 125 : i32
    return
  }
}

module attributes {stable_mosaic.version = 14 : i64} {
  func.func @_pre_body(%arg0: memref<10000x128xf32, #tpu.memory_space<vmem>>, %arg1: memref<128x128xf32, #tpu.memory_space<vmem>>, %arg2: memref<128x128xf32, #tpu.memory_space<vmem>>, %arg3: memref<10000x128xf32, #tpu.memory_space<vmem>>, %arg4: memref<10000x128xf32, #tpu.memory_space<vmem>>) attributes {dimension_semantics = [], scalar_prefetch = 0 : i64, scratch_operands = 0 : i64, tpu.core_type = #tpu.core_type<tc>} {
    %get3A = arith.constant 0 : index
    %get3A_0 = arith.constant 0 : index
    %get3A_1 = vector.load %arg0[%get3A, %get3A_0] : memref<10000x128xf32, #tpu.memory_space<vmem>>, vector<10000x128xf32>
    %get3A_2 = arith.constant 0 : index
    %get3A_3 = arith.constant 0 : index
    %get3A_4 = vector.load %arg1[%get3A_2, %get3A_3] : memref<128x128xf32, #tpu.memory_space<vmem>>, vector<128x128xf32>
    %dot_general3A = arith.constant dense<0.000000e+00> : vector<10000x128xf32>
    %dot_general3A_5 = tpu.matmul %get3A_1, %get3A_4, %dot_general3A {dimension_numbers = #tpu.dot_dimension_numbers<[1], [0], [0], [1], [0, 0, 1, 1], [], []>, transpose_lhs_hint = false} : vector<10000x128xf32>, vector<128x128xf32>, vector<10000x128xf32> -> vector<10000x128xf32>
    %swap3A = arith.constant 0 : index
    %swap3A_6 = arith.constant 0 : index
    %swap3A_7 = vector.load %arg3[%swap3A, %swap3A_6] : memref<10000x128xf32, #tpu.memory_space<vmem>>, vector<10000x128xf32>
    tpu.vector_store %arg3[%swap3A, %swap3A_6], %dot_general3A_5 {strides = array<i32>} : memref<10000x128xf32, #tpu.memory_space<vmem>>, vector<10000x128xf32>,
    %get3A_8 = arith.constant 0 : index
    %get3A_9 = arith.constant 0 : index
    %get3A_10 = vector.load %arg2[%get3A_8, %get3A_9] : memref<128x128xf32, #tpu.memory_space<vmem>>, vector<128x128xf32>
    %dot_general3A_11 = arith.constant dense<0.000000e+00> : vector<10000x128xf32>
    %dot_general3A_12 = tpu.matmul %get3A_1, %get3A_10, %dot_general3A_11 {dimension_numbers = #tpu.dot_dimension_numbers<[1], [0], [0], [1], [0, 0, 1, 1], [], []>, transpose_lhs_hint = false} : vector<10000x128xf32>, vector<128x128xf32>, vector<10000x128xf32> -> vector<10000x128xf32>
    %swap3A_13 = arith.constant 0 : index
    %swap3A_14 = arith.constant 0 : index
    %swap3A_15 = vector.load %arg4[%swap3A_13, %swap3A_14] : memref<10000x128xf32, #tpu.memory_space<vmem>>, vector<10000x128xf32>
    tpu.vector_store %arg4[%swap3A_13, %swap3A_14], %dot_general3A_12 {strides = array<i32>} : memref<10000x128xf32, #tpu.memory_space<vmem>>, vector<10000x128xf32>,
    return
  }
}

module attributes {stable_mosaic.version = 14 : i64} {
  func.func @_msg_body(%arg0: i32, %arg1: memref<2560x128xf32, #tpu.memory_space<vmem>>, %arg2: memref<2560x16xf32, #tpu.memory_space<vmem>>, %arg3: memref<16x128xf32, #tpu.memory_space<vmem>>, %arg4: memref<1x128xf32, #tpu.memory_space<vmem>>, %arg5: memref<128x128xf32, #tpu.memory_space<vmem>>, %arg6: memref<1x128xf32, #tpu.memory_space<vmem>>, %arg7: memref<2560x128xf32, #tpu.memory_space<vmem>>) attributes {dimension_semantics = [#tpu.dimension_semantics<arbitrary>], iteration_bounds = array<i64: 125>, scalar_prefetch = 0 : i64, scratch_operands = 0 : i64, tpu.core_type = #tpu.core_type<tc>, window_params = [{transform_indices = @transform_0, window_bounds = array<i64: 2560, 128>}, {transform_indices = @transform_1, window_bounds = array<i64: 2560, 16>}, {pipeline_mode = #tpu.pipeline_mode<synchronous>, transform_indices = @transform_2, window_bounds = array<i64: 16, 128>}, {pipeline_mode = #tpu.pipeline_mode<synchronous>, transform_indices = @transform_3, window_bounds = array<i64: 1, 128>}, {pipeline_mode = #tpu.pipeline_mode<synchronous>, transform_indices = @transform_4, window_bounds = array<i64: 128, 128>}, {pipeline_mode = #tpu.pipeline_mode<synchronous>, transform_indices = @transform_5, window_bounds = array<i64: 1, 128>}, {transform_indices = @transform_6, window_bounds = array<i64: 2560, 128>}]} {
    %get3A = arith.constant 0 : index
    %get3A_0 = arith.constant 0 : index
    %get3A_1 = vector.load %arg1[%get3A, %get3A_0] : memref<2560x128xf32, #tpu.memory_space<vmem>>, vector<2560x128xf32>
    %get3A_2 = arith.constant 0 : index
    %get3A_3 = arith.constant 0 : index
    %get3A_4 = vector.load %arg2[%get3A_2, %get3A_3] : memref<2560x16xf32, #tpu.memory_space<vmem>>, vector<2560x16xf32>
    %get3A_5 = arith.constant 0 : index
    %get3A_6 = arith.constant 0 : index
    %get3A_7 = vector.load %arg3[%get3A_5, %get3A_6] : memref<16x128xf32, #tpu.memory_space<vmem>>, vector<16x128xf32>
    %dot_general3A = arith.constant dense<0.000000e+00> : vector<2560x128xf32>
    %dot_general3A_8 = tpu.matmul %get3A_4, %get3A_7, %dot_general3A {dimension_numbers = #tpu.dot_dimension_numbers<[1], [0], [0], [1], [0, 0, 1, 1], [], []>, transpose_lhs_hint = false} : vector<2560x16xf32>, vector<16x128xf32>, vector<2560x128xf32> -> vector<2560x128xf32>
    %add3A = arith.addf %get3A_1, %dot_general3A_8 : vector<2560x128xf32>
    %get3A_9 = arith.constant 0 : index
    %get3A_10 = arith.constant 0 : index
    %get3A_11 = vector.load %arg4[%get3A_9, %get3A_10] : memref<1x128xf32, #tpu.memory_space<vmem>>, vector<1x128xf32>
    %add3A_12 = vector.broadcast %get3A_11 : vector<1x128xf32> to vector<2560x128xf32>
    %add3A_13 = arith.addf %add3A, %add3A_12 : vector<2560x128xf32>
    %mul3A = arith.constant 5.000000e-01 : f32
    %mul3A_14 = vector.broadcast %mul3A : f32 to vector<2560x128xf32>
    %mul3A_15 = arith.mulf %mul3A_14, %add3A_13 : vector<2560x128xf32>
    %mul3A_16 = arith.constant 0.707106769 : f32
    %mul3A_17 = vector.broadcast %mul3A_16 : f32 to vector<2560x128xf32>
    %mul3A_18 = arith.mulf %add3A_13, %mul3A_17 : vector<2560x128xf32>
    %erf3A = math.erf %mul3A_18 : vector<2560x128xf32>
    %add3A_19 = arith.constant 1.000000e+00 : f32
    %add3A_20 = vector.broadcast %add3A_19 : f32 to vector<2560x128xf32>
    %add3A_21 = arith.addf %add3A_20, %erf3A : vector<2560x128xf32>
    %mul3A_22 = arith.mulf %mul3A_15, %add3A_21 : vector<2560x128xf32>
    %get3A_23 = arith.constant 0 : index
    %get3A_24 = arith.constant 0 : index
    %get3A_25 = vector.load %arg5[%get3A_23, %get3A_24] : memref<128x128xf32, #tpu.memory_space<vmem>>, vector<128x128xf32>
    %dot_general3A_26 = arith.constant dense<0.000000e+00> : vector<2560x128xf32>
    %dot_general3A_27 = tpu.matmul %mul3A_22, %get3A_25, %dot_general3A_26 {dimension_numbers = #tpu.dot_dimension_numbers<[1], [0], [0], [1], [0, 0, 1, 1], [], []>, transpose_lhs_hint = false} : vector<2560x128xf32>, vector<128x128xf32>, vector<2560x128xf32> -> vector<2560x128xf32>
    %get3A_28 = arith.constant 0 : index
    %get3A_29 = arith.constant 0 : index
    %get3A_30 = vector.load %arg6[%get3A_28, %get3A_29] : memref<1x128xf32, #tpu.memory_space<vmem>>, vector<1x128xf32>
    %add3A_31 = vector.broadcast %get3A_30 : vector<1x128xf32> to vector<2560x128xf32>
    %add3A_32 = arith.addf %dot_general3A_27, %add3A_31 : vector<2560x128xf32>
    %mul3A_33 = arith.constant 5.000000e-01 : f32
    %mul3A_34 = vector.broadcast %mul3A_33 : f32 to vector<2560x128xf32>
    %mul3A_35 = arith.mulf %mul3A_34, %add3A_32 : vector<2560x128xf32>
    %mul3A_36 = arith.constant 0.707106769 : f32
    %mul3A_37 = vector.broadcast %mul3A_36 : f32 to vector<2560x128xf32>
    %mul3A_38 = arith.mulf %add3A_32, %mul3A_37 : vector<2560x128xf32>
    %erf3A_39 = math.erf %mul3A_38 : vector<2560x128xf32>
    %add3A_40 = arith.constant 1.000000e+00 : f32
    %add3A_41 = vector.broadcast %add3A_40 : f32 to vector<2560x128xf32>
    %add3A_42 = arith.addf %add3A_41, %erf3A_39 : vector<2560x128xf32>
    %mul3A_43 = arith.mulf %mul3A_35, %add3A_42 : vector<2560x128xf32>
    %swap3A = arith.constant 0 : index
    %swap3A_44 = arith.constant 0 : index
    %swap3A_45 = vector.load %arg7[%swap3A, %swap3A_44] : memref<2560x128xf32, #tpu.memory_space<vmem>>, vector<2560x128xf32>
    tpu.vector_store %arg7[%swap3A, %swap3A_44], %mul3A_43 {strides = array<i32>} : memref<2560x128xf32, #tpu.memory_space<vmem>>, vector<2560x128xf32>,
    return
  }
  func.func @transform_0(%arg0: i32) -> (i32, i32) {
    %c0_i32 = arith.constant 0 : i32
    %c0_i32_0 = arith.constant 0 : i32
    return %arg0, %c0_i32 : i32, i32
  }
  func.func @transform_1(%arg0: i32) -> (i32, i32) {
    %c0_i32 = arith.constant 0 : i32
    %c0_i32_0 = arith.constant 0 : i32
    return %arg0, %c0_i32 : i32, i32
  }
  func.func @transform_2(%arg0: i32) -> (i32, i32) {
    %c0_i32 = arith.constant 0 : i32
    %c0_i32_0 = arith.constant 0 : i32
    %c0_i32_1 = arith.constant 0 : i32
    return %c0_i32, %c0_i32_0 : i32, i32
  }
  func.func @transform_3(%arg0: i32) -> (i32, i32) {
    %c0_i32 = arith.constant 0 : i32
    %c0_i32_0 = arith.constant 0 : i32
    %c0_i32_1 = arith.constant 0 : i32
    return %c0_i32, %c0_i32_0 : i32, i32
  }
  func.func @transform_4(%arg0: i32) -> (i32, i32) {
    %c0_i32 = arith.constant 0 : i32
    %c0_i32_0 = arith.constant 0 : i32
    %c0_i32_1 = arith.constant 0 : i32
    return %c0_i32, %c0_i32_0 : i32, i32
  }
  func.func @transform_5(%arg0: i32) -> (i32, i32) {
    %c0_i32 = arith.constant 0 : i32
    %c0_i32_0 = arith.constant 0 : i32
    %c0_i32_1 = arith.constant 0 : i32
    return %c0_i32, %c0_i32_0 : i32, i32
  }
  func.func @transform_6(%arg0: i32) -> (i32, i32) {
    %c0_i32 = arith.constant 0 : i32
    %c0_i32_0 = arith.constant 0 : i32
    return %arg0, %c0_i32 : i32, i32
  }
}

module attributes {stable_mosaic.version = 14 : i64} {
  func.func @_upd_body(%arg0: memref<10000x128xf32, #tpu.memory_space<vmem>>, %arg1: memref<2x10000x128xf32, #tpu.memory_space<vmem>>, %arg2: memref<128x128xf32, #tpu.memory_space<vmem>>, %arg3: memref<128x128xf32, #tpu.memory_space<vmem>>, %arg4: memref<1x128xf32, #tpu.memory_space<vmem>>, %arg5: memref<128x128xf32, #tpu.memory_space<vmem>>, %arg6: memref<1x128xf32, #tpu.memory_space<vmem>>, %arg7: memref<1x128xf32, #tpu.memory_space<vmem>>, %arg8: memref<1x128xf32, #tpu.memory_space<vmem>>, %arg9: memref<10000x128xf32, #tpu.memory_space<vmem>>) attributes {dimension_semantics = [], scalar_prefetch = 0 : i64, scratch_operands = 0 : i64, tpu.core_type = #tpu.core_type<tc>} {
    %get3A = arith.constant 0 : index
    %get3A_0 = arith.constant 0 : index
    %get3A_1 = vector.load %arg0[%get3A, %get3A_0] : memref<10000x128xf32, #tpu.memory_space<vmem>>, vector<10000x128xf32>
    %get3A_2 = arith.constant 0 : index
    %get3A_3 = arith.constant 0 : index
    %get3A_4 = arith.constant 0 : index
    %get3A_5 = vector.load %arg1[%get3A_2, %get3A_3, %get3A_4] : memref<2x10000x128xf32, #tpu.memory_space<vmem>>, vector<1x10000x128xf32>
    %get3A_6 = vector.shape_cast %get3A_5 : vector<1x10000x128xf32> to vector<10000x128xf32>
    %get3A_7 = arith.constant 1 : index
    %get3A_8 = arith.constant 0 : index
    %get3A_9 = arith.constant 0 : index
    %get3A_10 = vector.load %arg1[%get3A_7, %get3A_8, %get3A_9] : memref<2x10000x128xf32, #tpu.memory_space<vmem>>, vector<1x10000x128xf32>
    %get3A_11 = vector.shape_cast %get3A_10 : vector<1x10000x128xf32> to vector<10000x128xf32>
    %add3A = arith.addf %get3A_6, %get3A_11 : vector<10000x128xf32>
    %get3A_12 = arith.constant 0 : index
    %get3A_13 = arith.constant 0 : index
    %get3A_14 = vector.load %arg2[%get3A_12, %get3A_13] : memref<128x128xf32, #tpu.memory_space<vmem>>, vector<128x128xf32>
    %dot_general3A = arith.constant dense<0.000000e+00> : vector<10000x128xf32>
    %dot_general3A_15 = tpu.matmul %get3A_1, %get3A_14, %dot_general3A {dimension_numbers = #tpu.dot_dimension_numbers<[1], [0], [0], [1], [0, 0, 1, 1], [], []>, transpose_lhs_hint = false} : vector<10000x128xf32>, vector<128x128xf32>, vector<10000x128xf32> -> vector<10000x128xf32>
    %get3A_16 = arith.constant 0 : index
    %get3A_17 = arith.constant 0 : index
    %get3A_18 = vector.load %arg3[%get3A_16, %get3A_17] : memref<128x128xf32, #tpu.memory_space<vmem>>, vector<128x128xf32>
    %dot_general3A_19 = arith.constant dense<0.000000e+00> : vector<10000x128xf32>
    %dot_general3A_20 = tpu.matmul %add3A, %get3A_18, %dot_general3A_19 {dimension_numbers = #tpu.dot_dimension_numbers<[1], [0], [0], [1], [0, 0, 1, 1], [], []>, transpose_lhs_hint = false} : vector<10000x128xf32>, vector<128x128xf32>, vector<10000x128xf32> -> vector<10000x128xf32>
    %add3A_21 = arith.addf %dot_general3A_15, %dot_general3A_20 : vector<10000x128xf32>
    %get3A_22 = arith.constant 0 : index
    %get3A_23 = arith.constant 0 : index
    %get3A_24 = vector.load %arg4[%get3A_22, %get3A_23] : memref<1x128xf32, #tpu.memory_space<vmem>>, vector<1x128xf32>
    %add3A_25 = vector.broadcast %get3A_24 : vector<1x128xf32> to vector<10000x128xf32>
    %add3A_26 = arith.addf %add3A_21, %add3A_25 : vector<10000x128xf32>
    %mul3A = arith.constant 5.000000e-01 : f32
    %mul3A_27 = vector.broadcast %mul3A : f32 to vector<10000x128xf32>
    %mul3A_28 = arith.mulf %mul3A_27, %add3A_26 : vector<10000x128xf32>
    %mul3A_29 = arith.constant 0.707106769 : f32
    %mul3A_30 = vector.broadcast %mul3A_29 : f32 to vector<10000x128xf32>
    %mul3A_31 = arith.mulf %add3A_26, %mul3A_30 : vector<10000x128xf32>
    %erf3A = math.erf %mul3A_31 : vector<10000x128xf32>
    %add3A_32 = arith.constant 1.000000e+00 : f32
    %add3A_33 = vector.broadcast %add3A_32 : f32 to vector<10000x128xf32>
    %add3A_34 = arith.addf %add3A_33, %erf3A : vector<10000x128xf32>
    %mul3A_35 = arith.mulf %mul3A_28, %add3A_34 : vector<10000x128xf32>
    %get3A_36 = arith.constant 0 : index
    %get3A_37 = arith.constant 0 : index
    %get3A_38 = vector.load %arg5[%get3A_36, %get3A_37] : memref<128x128xf32, #tpu.memory_space<vmem>>, vector<128x128xf32>
    %dot_general3A_39 = arith.constant dense<0.000000e+00> : vector<10000x128xf32>
    %dot_general3A_40 = tpu.matmul %mul3A_35, %get3A_38, %dot_general3A_39 {dimension_numbers = #tpu.dot_dimension_numbers<[1], [0], [0], [1], [0, 0, 1, 1], [], []>, transpose_lhs_hint = false} : vector<10000x128xf32>, vector<128x128xf32>, vector<10000x128xf32> -> vector<10000x128xf32>
    %add3A_41 = arith.addf %get3A_1, %dot_general3A_40 : vector<10000x128xf32>
    %get3A_42 = arith.constant 0 : index
    %get3A_43 = arith.constant 0 : index
    %get3A_44 = vector.load %arg6[%get3A_42, %get3A_43] : memref<1x128xf32, #tpu.memory_space<vmem>>, vector<1x128xf32>
    %add3A_45 = vector.broadcast %get3A_44 : vector<1x128xf32> to vector<10000x128xf32>
    %add3A_46 = arith.addf %add3A_41, %add3A_45 : vector<10000x128xf32>
    %reduce_sum3A = arith.constant dense<0.000000e+00> : vector<10000xf32>
    %reduce_sum3A_47 = vector.multi_reduction <add>, %add3A_46, %reduce_sum3A [1] : vector<10000x128xf32> to vector<10000xf32>
    %broadcast_in_dim3A = vector.shape_cast %reduce_sum3A_47 : vector<10000xf32> to vector<10000x1xf32>
    %div3A = arith.constant 1.280000e+02 : f32
    %div3A_48 = vector.broadcast %div3A : f32 to vector<10000x1xf32>
    %div3A_49 = arith.divf %broadcast_in_dim3A, %div3A_48 : vector<10000x1xf32>
    %sub3A = vector.broadcast %div3A_49 : vector<10000x1xf32> to vector<10000x128xf32>
    %sub3A_50 = arith.subf %add3A_46, %sub3A : vector<10000x128xf32>
    %integer_pow3A = arith.mulf %sub3A_50, %sub3A_50 : vector<10000x128xf32>
    %reduce_sum3A_51 = arith.constant dense<0.000000e+00> : vector<10000xf32>
    %reduce_sum3A_52 = vector.multi_reduction <add>, %integer_pow3A, %reduce_sum3A_51 [1] : vector<10000x128xf32> to vector<10000xf32>
    %broadcast_in_dim3A_53 = vector.shape_cast %reduce_sum3A_52 : vector<10000xf32> to vector<10000x1xf32>
    %div3A_54 = arith.constant 1.280000e+02 : f32
    %div3A_55 = vector.broadcast %div3A_54 : f32 to vector<10000x1xf32>
    %div3A_56 = arith.divf %broadcast_in_dim3A_53, %div3A_55 : vector<10000x1xf32>
    %sub3A_57 = vector.broadcast %div3A_49 : vector<10000x1xf32> to vector<10000x128xf32>
    %sub3A_58 = arith.subf %add3A_46, %sub3A_57 : vector<10000x128xf32>
    %add3A_59 = arith.constant 9.99999974E-6 : f32
    %add3A_60 = vector.broadcast %add3A_59 : f32 to vector<10000x1xf32>
    %add3A_61 = arith.addf %div3A_56, %add3A_60 : vector<10000x1xf32>
    %rsqrt3A = math.rsqrt %add3A_61 : vector<10000x1xf32>
    %mul3A_62 = vector.broadcast %rsqrt3A : vector<10000x1xf32> to vector<10000x128xf32>
    %mul3A_63 = arith.mulf %sub3A_58, %mul3A_62 : vector<10000x128xf32>
    %get3A_64 = arith.constant 0 : index
    %get3A_65 = arith.constant 0 : index
    %get3A_66 = vector.load %arg7[%get3A_64, %get3A_65] : memref<1x128xf32, #tpu.memory_space<vmem>>, vector<1x128xf32>
    %mul3A_67 = vector.broadcast %get3A_66 : vector<1x128xf32> to vector<10000x128xf32>
    %mul3A_68 = arith.mulf %mul3A_63, %mul3A_67 : vector<10000x128xf32>
    %get3A_69 = arith.constant 0 : index
    %get3A_70 = arith.constant 0 : index
    %get3A_71 = vector.load %arg8[%get3A_69, %get3A_70] : memref<1x128xf32, #tpu.memory_space<vmem>>, vector<1x128xf32>
    %add3A_72 = vector.broadcast %get3A_71 : vector<1x128xf32> to vector<10000x128xf32>
    %add3A_73 = arith.addf %mul3A_68, %add3A_72 : vector<10000x128xf32>
    %swap3A = arith.constant 0 : index
    %swap3A_74 = arith.constant 0 : index
    %swap3A_75 = vector.load %arg9[%swap3A, %swap3A_74] : memref<10000x128xf32, #tpu.memory_space<vmem>>, vector<10000x128xf32>
    tpu.vector_store %arg9[%swap3A, %swap3A_74], %add3A_73 {strides = array<i32>} : memref<10000x128xf32, #tpu.memory_space<vmem>>, vector<10000x128xf32>,
    return
  }
}

</mosaic_0001>

<sc_bundles>
// kernel: kernel.10.cloned.1.call-start
scs
__scs_entry_jumppad:
0x0: {  	(pc) =	sbr.rel $0x88, $3  }
0x1: {  	(tag) =	ssettag $0x0;
	lr =	simm.s32 $0x1  }
0x2: {  	[smem:$0x3F94] =	sst lr;
	_ =	strace $0xD0000000  }
0x3: {  	_ = 	snop  }
0x4: {  	_ = 	snop  }
0x5: {  	_ = 	snop  }
0x6: {  	_ = 	snop  }
0x7: {  	_ = 	snop  }
__scs_overlays_trampoline_lowered:
0x8: {  	[smem:$0x3FA3] =	sst s0  }
0x9: {  	[smem:$0x3FA4] =	sst s1  }
0xa: {  	[smem:$0x3FA5] =	sst s2  }
0xb: {  	[smem:$0x3FA6] =	sst s3  }
0xc: {  	[smem:$0x3FA7] =	sst s4  }
0xd: {  	[smem:$0x3FA8] =	sst s5  }
0xe: {  	[smem:$0x3FA9] =	sst s6  }
0xf: {  	[smem:$0x3FAA] =	sst s7  }
0x10: {  	[smem:$0x3FAB] =	sst s8  }
0x11: {  	[smem:$0x3FAC] =	sst s9;
	s0 =	simm.s32 @!p0 $0x0  }
0x12: {  	s1 =	sld [smem:$0x3F92];
	s0 =	simm.s32 @p0 $0x1  }
0x13: {  	[smem:$0x3FAD] =	sst s0;
	s0 =	simm.s32 @!p1 $0x0  }
0x14: {  	s2 =	sld [smem:$0x3F91];
	s0 =	simm.s32 @p1 $0x1  }
0x15: {  	[smem:$0x3FAE] =	sst s0;
	s0 =	simm.s32 @!p2 $0x0  }
0x16: {  	s3 =	sld [smem:$0x3FDB];
	s0 =	simm.s32 @p2 $0x1  }
0x17: {  	s4 =	simm.s32 $0x1BF5;
	[smem:$0x3FB0] =	sst s0  }
0x18: {  	s0 =	sld [smem:$0x3F93];
	_ =	swait.ge [sflag:s4], $0x0  }
0x19: {  	s7 =	sld [smem:$0x3F94]  }
0x1a: {  	s8 =	sadd.s32 $0xFFFFE003, lr  }
0x1b: {  	s9 =	sadd.s32 $0xFFFFFEF7, lr;
	s5 =	simm.s32 $0xFFFFFFFF;
	p2 =	slt.u32 s8, $0xFFFFF086  }
0x1c: {  	p1 =	slt.u32 s9, $0xF7A;
	s5 =	simm.s32 @!p2 $0x0  }
0x1d: {  	s5 =	simm.s32 @p1 $0x1;
	p0 =	seq.s32 s7, s2  }
0x1e: {  	s7 =	smul.u32 @!p0 $0xF7A, s2;
	p2 =	seq.s32 @!p0 s5, $0x0  }
0x1f: {  	s9 =	smul.u32 $0xF7A, s1;
	s8 =	simm.s32 @!p0 $0x1BF5;
	p2 =	por !p2, p0  }
0x20: {  	[sflag:s8] =	ssyncset.s32 @!p0 $0xFFFFF086;
	s6 =	sadd.s32 @!p0 s3, s7;
	s7 =	simm.s32 @!p0 $0x108  }
0x21: {  	s3 =	sadd.s32 s3, s9;
	s6 =	sadd.s32 @!p0 $0x88, s6;
	s7 =	simm.s32 @p2 $0x1082  }
0x22: {  	[simem:s7], [sflag:s8] =	dma.local @!p0 [hbm:s6], $0xF7A  }
0x23: {  	s9 =	sor.u32 $0xD0000000, s2;
	s6 =	simm.s32 $0x108;
	_ =	swait.ge @!p0 [sflag:s8], $0x0  }
0x24: {  	s3 =	sadd.s32 $0x88, s3;
	s6 =	simm.s32 @!p1 $0x1082;
	[sflag:s4] =	ssyncset.s32 $0xFFFFF086  }
0x25: {  	[simem:s6], [sflag:s4] =	dma.local [hbm:s3], $0xF7A  }
0x26: {  	[smem:$0x3F94] =	sst s1;
	(tag) =	ssettag s2;
	_ =	strace s9  }
0x27: {  	s1 =	sld [smem:$0x3FA4]  }
0x28: {  	s2 =	sld [smem:$0x3FA5]  }
0x29: {  	s4 =	sld [smem:$0x3FA7]  }
0x2a: {  	p0 =	seq.s32 s5, $0x0;
	s5 =	sld [smem:$0x3FA8]  }
0x2b: {  	s6 =	sld [smem:$0x3FA9]  }
0x2c: {  	s7 =	sld [smem:$0x3FAA]  }
0x2d: {  	s3 =	simm.s32 $0x108;
	s8 =	sld [smem:$0x3FAB]  }
0x2e: {  	s3 =	simm.s32 @!p0 $0x1082;
	s9 =	sld [smem:$0x3FAC]  }
0x2f: {  	lr =	sadd.s32 s0, s3;
	s0 =	sld [smem:$0x3FA3]  }
0x30: {  	s3 =	sld [smem:$0x3FA6]  }
0x31: {  	[smem:$0x3FAF] =	sst s10  }
0x32: {  	s10 =	sld [smem:$0x3FAD];
	_ =	sdelay $0x3  }
0x33: {  	p0 =	seq.s32 s10, $0x1;
	s10 =	sld [smem:$0x3FAF];
	_ =	sdelay $0x3  }
0x34: {  	[smem:$0x3FAF] =	sst s10  }
0x35: {  	s10 =	sld [smem:$0x3FAE];
	_ =	sdelay $0x3  }
0x36: {  	p1 =	seq.s32 s10, $0x1;
	s10 =	sld [smem:$0x3FAF];
	_ =	sdelay $0x3  }
0x37: {  	[smem:$0x3FAF] =	sst s10  }
0x38: {  	s10 =	sld [smem:$0x3FB0]  }
0x39: {  	_ = 	snop;
	(pc) =	sbr.ind lr, $3  }
0x3a: {  	_ = 	snop  }
0x3b: {  	_ = 	snop  }
0x3c: {  	p2 =	seq.s32 s10, $0x1;
	s10 =	sld [smem:$0x3FAF]  }
0x3d: {  	_ =	shalt  }
0x3e: {  	_ =	shalt  }
0x3f: {  	_ =	shalt  }
0x40: {  	_ =	shalt  }
0x41: {  	_ =	shalt  }
0x42: {  	_ =	shalt  }
0x43: {  	_ =	shalt  }
0x44: {  	_ =	shalt  }
0x45: {  	_ =	shalt  }
0x46: {  	_ =	shalt  }
0x47: {  	_ =	shalt  }
0x48: {  	_ =	shalt  }
0x49: {  	_ =	shalt  }
0x4a: {  	_ =	shalt  }
0x4b: {  	_ =	shalt  }
0x4c: {  	_ =	shalt  }
0x4d: {  	_ =	shalt  }
0x4e: {  	_ =	shalt  }
0x4f: {  	_ =	shalt  }
0x50: {  	_ =	shalt  }
0x51: {  	_ =	shalt  }
0x52: {  	_ =	shalt  }
0x53: {  	_ =	shalt  }
0x54: {  	_ =	shalt  }
0x55: {  	_ =	shalt  }
0x56: {  	_ =	shalt  }
0x57: {  	_ =	shalt  }
0x58: {  	_ =	shalt  }
0x59: {  	_ =	shalt  }
0x5a: {  	_ =	shalt  }
0x5b: {  	_ =	shalt  }
0x5c: {  	_ =	shalt  }
0x5d: {  	_ =	shalt  }
0x5e: {  	_ =	shalt  }
0x5f: {  	_ =	shalt  }
0x60: {  	_ =	shalt  }
0x61: {  	_ =	shalt  }
0x62: {  	_ =	shalt  }
0x63: {  	_ =	shalt  }
0x64: {  	_ =	shalt  }
0x65: {  	_ =	shalt  }
0x66: {  	_ =	shalt  }
0x67: {  	_ =	shalt  }
0x68: {  	_ =	shalt  }
0x69: {  	_ =	shalt  }
0x6a: {  	_ =	shalt  }
0x6b: {  	_ =	shalt  }
0x6c: {  	_ =	shalt  }
0x6d: {  	_ =	shalt  }
0x6e: {  	_ =	shalt  }
0x6f: {  	_ =	shalt  }
0x70: {  	_ =	shalt  }
0x71: {  	_ =	shalt  }
0x72: {  	_ =	shalt  }
0x73: {  	_ =	shalt  }
0x74: {  	_ =	shalt  }
0x75: {  	_ =	shalt  }
0x76: {  	_ =	shalt  }
0x77: {  	_ =	shalt  }
0x78: {  	_ =	shalt  }
0x79: {  	_ =	shalt  }
0x7a: {  	_ =	shalt  }
0x7b: {  	_ =	shalt  }
0x7c: {  	_ =	shalt  }
0x7d: {  	_ =	shalt  }
0x7e: {  	_ =	shalt  }
0x7f: {  	_ =	shalt  }
0x80: {  	_ =	shalt  }
0x81: {  	_ =	shalt  }
0x82: {  	_ =	shalt  }
0x83: {  	_ =	shalt  }
0x84: {  	_ =	shalt  }
0x85: {  	_ =	shalt  }
0x86: {  	_ =	shalt  }
0x87: {  	_ =	shalt  }
.Lfunc_end0:
.L_simem_size_0:
called_computation.1_lowered:
.L_overlay_start_0:
0x88: {  	s2 =	sld [smem:$0x3FD9]  }
0x89: {  	s3 =	sld [smem:$0x3FFE];
	_ =	sdelay $0x1  }
0x8a: {  	s1 =	srdreg.scid  }
0x8b: {  	s0 =	sand.u32 $0x1, s1  }
0x8c: {  	s17 =	sshll.u32 s0, $0xA;
	s2 =	sadd.s32 s3, s2  }
0x8d: {  	s2 =	sadd.s32 s2, s17  }
0x8e: {  	[smem:$0x3FBB] =	sst s2  }
0x8f: {  	_ = 	snop  }
0x90: {  	s2 =	sld [smem:$0x3FD0];
	(tm) =	ssettm $0x1  }
0x91: {  	s18 =	sld [smem:$0x3FFB];
	_ =	sdelay $0x3  }
0x92: {  	_ =	strace s18  }
0x93: {  	s3 =	sld [smem:$0x3FFC];
	_ =	sdelay $0x3  }
0x94: {  	_ =	strace s3  }
0x95: {  	s3 =	sld [smem:$0x3FFD];
	_ =	sdelay $0x3  }
0x96: {  	_ =	strace s3  }
0x97: {  	_ =	strace $0x8FFFFFFF  }
0x98: {  	s19 =	sld [smem:$0x3FDB];
	_ =	sdelay $0x1  }
0x99: {  	s4 =	simm.s32 $_scs_section_size  }
0x9a: {  	s5 =	simm.s32 $_size__tile_overlayer_lowered;
	s6 =	simm.s32 $_tile_overlayer_lowered  }
0x9b: {  	s22 =	simm.s32 $0x1BFF;
	s21 =	sshll.u32 s6, $0x1;
	s3 =	sadd.s32 s4, s19  }
0x9c: {  	s7 =	simm.s32 $0x0;
	s20 =	sshll.u32 s5, $0x1;
	s5 =	sadd.s32 s21, s3  }
0x9d: {  	[timem:s7], [sflag:s22] =	dma.local [hbm:s5], s20  }
0x9e: {  	_ =	swait.ge [sflag:s22], s20  }
0x9f: {  	s4 =	ssub.s32 $0x0, s20;
	[sflag:s22] =	ssyncset.done $0x0  }
0xa0: {  	[sflag:s22] =	ssyncadd.s32 s4;
	_ =	sdelay $0x1  }
0xa1: {  	s23 =	simm.s32 $0x1B8B  }
0xa2: {  	_ =	swait.ge [sflag:s23], $0x1  }
0xa3: {  	[sflag:s23] =	ssyncset.done $0x0  }
0xa4: {  	s25 =	simm.s32 $0x1B8E;
	s24 =	sld [smem:$0x3FFE];
	[sflag:s23] =	ssyncadd.s32 $0xFFFFFFFF  }
0xa5: {  	s26 =	simm.s32 $execute0_lowered;
	[smem:$0x3FD2] =	sst s25  }
0xa6: {  	s5 =	sshll.u32 s26, $0x1;
	_ =	strace $0x80000049;
	[dreg:$0x1] =	wrdreg $0xFFFFFFFF  }
0xa7: {  	s28 =	simm.s32 $_size_execute0_lowered;
	s3 =	sadd.s32 s3, s5;
	[dreg:$0x0] =	wrdreg $0x0  }
0xa8: {  	s5 =	sshll.u32 s28, $0x1;
	[dreg:$0x2] =	wrdreg s3  }
0xa9: {  	[dreg:$0x3] =	wrdreg s5  }
0xaa: {  	[dreg:$0x4] =	wrdreg $0xC0  }
0xab: {  	_ =	task [dreg:s7], $0x5FFFF  }
0xac: {  	[dreg:$0x1] =	wrdreg $0xFFFFFFFF  }
0xad: {  	[dreg:$0x0] =	wrdreg $0x60  }
0xae: {  	[dreg:$0x2] =	wrdreg s24  }
0xaf: {  	[dreg:$0x3] =	wrdreg s2  }
0xb0: {  	[dreg:$0x4] =	wrdreg $0x28800  }
0xb1: {  	[dreg:$0x5] =	wrdreg $0x9  }
0xb2: {  	_ =	task.clear_ibuf [dreg:s7], $0x6FFFF;
	_ =	strace $0x90000049  }
0xb3: {  	s29 =	simm.s32 $0x9;
	_ =	strace $0x8000004B  }
0xb4: {  	_ =	swait.ge [sflag:s29], $0x1  }
0xb5: {  	[sflag:s29] =	ssyncadd.s32 $0xFFFFFFFF  }
0xb6: {  	_ =	strace $0x9000004B  }
0xb7: {  	_ =	sfence  }
0xb8: {  	s30 =	sld [smem:$0x0];
	_ =	sdelay $0x2  }
0xb9: {  	s31 =	sshll.u32 s1, $0xD;
	s1 =	sshrl.u32 s1, $0x2  }
0xba: {  	s3 =	sand.u32 $0x4000, s31;
	s1 =	sadd.s32 s1, s30  }
0xbb: {  	s0 =	sor.u32 s3, s0;
	s1 =	sshll.u32 s1, $0x11  }
0xbc: {  	s0 =	sor.u32 s1, s0  }
0xbd: {  	s0 =	sadd.s32 $0x8F2B, s0  }
0xbe: {  	[sflag:s0] =	ssyncadd.remote.s32 $0x1  }
0xbf: {  	_ =	sfence.sel $0xFFFF  }
0xc0: {  	[dreg:$0x0] =	wrdreg $0xFFFFFFFF;
	(pc) =	sbr.abs _section_cstart, $3  }
0xc1: {  	[dreg:$0x1] =	wrdreg $0xFFFFFFFF  }
0xc2: {  	_ =	task.clear_ibuf [dreg:s7], $0x2FFFF;
	_ =	strace $0x9FFFFFFF  }
0xc3: {  	(tm) =	ssettm $0x7FFFFFFF  }
tec
execute0_lowered:
.L_overlay_start_1:
0x0: {  	(tag) =	ssettag $0x1  }
0x1: {  	s4 =	rddreg [dreg:$0x0]  }
0x2: {  	s6 =	rddreg [dreg:$0x1]  }
0x3: {  	s2 =	rddreg [dreg:$0x2];
	s1 =	stileid.u32  }
0x4: {  	s0 =	rddreg [dreg:$0x3];
	s5 =	smul.u32 $0x4E200, s1  }
0x5: {  	s7 =	srdreg.scid;
	s8 =	smul.u32 $0x4E20, s1  }
0x6: {  	s3 =	simm.s32 $0x0;
	s17 =	simm.s32 $0x0;
	s24 =	smul.u32 $0x4E000, s1  }
0x7: {  	s7 =	sand.u32 $0x1, s7;
	[smem:$0x7FF] =	sst s3;
	s12 =	smul.u32 $0x13800, s1  }
0x8: {  	s14 =	sadd.s32 $0x15E00, s4;
	s29 =	sshll.u32 s1, $0x6;
	s9 =	smul.u32 $0x2710, s7  }
0x9: {  	s16 =	sadd.s32 $0x138000, s2;
	p0 =	sne.s32 s1, $0xF;
	s28 =	smul.u32 $0x138800, s7  }
0xa: {  	_ =	strace $0x8000004A;
	s23 =	ssub.s32 $0x2, s7;
	s31 =	smul.u32 $0x27100, s7  }
0xb: {  	s10 =	sadd.s32 s5, s4;
	s11 =	sshrl.u32 s23, $0x1;
	s25 =	sshrl.u32 s24, $0x2  }
0xc: {  	s26 =	sshrl.u32 s12, $0x3;
	s22 =	sadd.s32 s9, s8;
	s11 =	ssub.s32 s23, s11  }
0xd: {  	s15 =	sadd.s32 s25, s2;
	s30 =	sadd.s32 s12, s28;
	s8 =	sshrl.u32 s28, $0x3  }
0xe: {  	s10 =	sadd.s32 s31, s10;
	s5 =	sshrl.u32 s22, $0x3;
	s9 =	sshrl.u32 s30, $0x3  }
0xf: {  	s8 =	sadd.s32 s14, s8;
	s10 =	sadd.s32 $0xA01000, s10;
	s12 =	sshrl.u32 s15, $0x3  }
0x10: {  	s15 =	simm.s32 $0x80;
	s13 =	sadd.s32 s5, s4;
	s4 =	sadd.s32 s6, s26  }
0x11: {  	s5 =	sor.u32 $0x1C01, s29;
	s6 =	sadd.s32 $0x27000, s6;
	s7 =	sadd.s32 s14, s9  }
0x12: {  	s8 =	sadd.s32 $0x27000, s8;
	s9 =	smax.u32 s11, $0x1;
	s14 =	sshrl.u32 @!p0 s16, $0x3  }
0x13: {  	s16 =	simm.s32 $0x50;
	s11 =	sadd.s32 $0xC000, s13;
	s13 =	simm.s32 $0x1  }
.LBB2_1:
0x14: {  	[spmem:s12], [sflag:s5] =	dma.local [hbm:s4], $0x2700  }
0x15: {  	_ =	swait.ge [sflag:s13], $0x2700  }
0x16: {  	[sflag:s13] =	ssyncset.done $0x0  }
0x17: {  	s18 =	simm.s32 @!p0 $0x1;
	[sflag:s13] =	ssyncadd.s32 $0xFFFFD900  }
0x18: {  	[spmem:s14], [sflag:s5] =	dma.local @!p0 [hbm:s6], $0x100  }
0x19: {  	_ =	swait.ge @!p0 [sflag:s18], $0x100  }
0x1a: {  	[sflag:s18] =	ssyncset.done @!p0 $0x0  }
0x1b: {  	[sflag:s18] =	ssyncadd.s32 @!p0 $0xFFFFFF00  }
0x1c: {  	s31 =	sadd.s32 $0x0, s11;
	[bflag:$0x0] =	sbarrier.arrive $0xFFFF  }
0x1d: {  	[tilespmem:s3], [sflag:$0x1] =	stream.linear.gather [hbm4b:s31+s3], $0x50, $0x38;
	[tilespmem:$0x16100] =	vst v63  }
0x1e: {  	_ =	swait.ge [sflag:s13], $0x50  }
0x1f: {  	[sflag:s13] =	ssyncset.done $0x0  }
0x20: {  	[sflag:s13] =	ssyncadd.s32 $0xFFFFFFB0  }
0x21: {  	[tilespmem:s15], [sflag:$0x1] =	stream.linear.gather [hbm4b:s10+s3], $0x2800, $0x38;
	[tilespmem:$0x16100] =	vst v63  }
0x22: {  	_ =	swait.ge [sflag:s13], $0x2800  }
0x23: {  	[sflag:s13] =	ssyncset.done $0x0  }
0x24: {  	[sflag:s13] =	ssyncadd.s32 $0xFFFFD800  }
0x25: {  	[spmem:s2] =	stream.indirect.scatter.add.f32 [tilespmem:s15], [sflag:$0x1], $0x80, s3, s16, $0xb8;
	[tilespmem:$0x16100] =	vst v63  }
0x26: {  	s19 =	simm.s32 $0xA;
	_ =	swait.ge [sflag:s13], $0x2800  }
0x27: {  	s20 =	simm.s32 $0x14;
	s18 =	sadd.s32 $0x500, s10;
	[sflag:s13] =	ssyncset.done $0x0  }
.LBB2_2:
0x28: {  	s21 =	sadd.s32 s19, s11  }
0x29: {  	[sflag:s13] =	ssyncadd.s32 $0xFFFFD800;
	s19 =	smov.u32 s20;
	s22 =	sadd.s32 $0xA, s20  }
0x2a: {  	[tilespmem:s3], [sflag:$0x1] =	stream.linear.gather [hbm4b:s21+s3], $0x50, $0x38;
	[tilespmem:$0x16100] =	vst v63  }
0x2b: {  	p1 =	sne.s32 s20, $0x4D8;
	_ =	swait.ge [sflag:s13], $0x50  }
0x2c: {  	[sflag:s13] =	ssyncset.done $0x0  }
0x2d: {  	[sflag:s13] =	ssyncadd.s32 $0xFFFFFFB0  }
0x2e: {  	[tilespmem:s15], [sflag:$0x1] =	stream.linear.gather [hbm4b:s18+s3], $0x2800, $0x38;
	[tilespmem:$0x16100] =	vst v63  }
0x2f: {  	_ =	swait.ge [sflag:s13], $0x2800  }
.Ltmp0:
0x30: {  	[sflag:s13] =	ssyncset.done $0x0;
	(pc) =	sbr.rel @p1 .LBB2_2-.Ltmp0, $4  }
0x31: {  	[sflag:s13] =	ssyncadd.s32 $0xFFFFD800  }
0x32: {  	[spmem:s2] =	stream.indirect.scatter.add.f32 [tilespmem:s15], [sflag:$0x1], $0x80, s3, s16, $0xb8;
	[tilespmem:$0x16100] =	vst v63  }
0x33: {  	_ =	swait.ge [sflag:s13], $0x2800  }
0x34: {  	s20 =	smov.u32 s22;
	s18 =	sadd.s32 $0x500, s18;
	[sflag:s13] =	ssyncset.done $0x0  }
0x35: {  	s19 =	sadd.s32 s19, s11;
	[sflag:s13] =	ssyncadd.s32 $0xFFFFD800  }
0x36: {  	[tilespmem:s3], [sflag:$0x1] =	stream.linear.gather [hbm4b:s19+s3], $0x50, $0x38;
	[tilespmem:$0x16100] =	vst v63  }
0x37: {  	_ =	swait.ge [sflag:s13], $0x50  }
0x38: {  	[sflag:s13] =	ssyncset.done $0x0  }
0x39: {  	[sflag:s13] =	ssyncadd.s32 $0xFFFFFFB0  }
0x3a: {  	[tilespmem:s15], [sflag:$0x1] =	stream.linear.gather [hbm4b:s18+s3], $0x2800, $0x38;
	[tilespmem:$0x16100] =	vst v63  }
0x3b: {  	_ =	swait.ge [sflag:s13], $0x2800  }
0x3c: {  	[sflag:s13] =	ssyncset.done $0x0  }
0x3d: {  	[sflag:s13] =	ssyncadd.s32 $0xFFFFD800  }
0x3e: {  	[spmem:s2] =	stream.indirect.scatter.add.f32 [tilespmem:s15], [sflag:$0x1], $0x80, s3, s16, $0xb8;
	[tilespmem:$0x16100] =	vst v63  }
0x3f: {  	_ =	swait.ge [sflag:s13], $0x2800  }
0x40: {  	[sflag:s13] =	ssyncset.done $0x0  }
0x41: {  	[sflag:s13] =	ssyncadd.s32 $0xFFFFD800  }
0x42: {  	[bflag:$0x0] =	sbarrier.arrive $0xFFFF  }
0x43: {  	[hbm:s7], [sflag:s5] =	dma.local [spmem:s12], $0x2700  }
0x44: {  	s17 =	sadd.s32 $0x1, s17;
	_ =	swait.ge [sflag:s13], $0x2700  }
0x45: {  	p1 =	sne.s32 s17, s9;
	[sflag:s13] =	ssyncset.done $0x0  }
.Ltmp1:
0x46: {  	s18 =	simm.s32 @!p0 $0x1;
	[sflag:s13] =	ssyncadd.s32 $0xFFFFD900;
	(pc) =	sbr.rel @p1 .LBB2_1-.Ltmp1, $4  }
0x47: {  	[hbm:s8], [sflag:s5] =	dma.local @!p0 [spmem:s14], $0x100  }
0x48: {  	_ =	swait.ge @!p0 [sflag:s18], $0x100  }
0x49: {  	[sflag:s18] =	ssyncset.done @!p0 $0x0  }
0x4a: {  	[sflag:s18] =	ssyncadd.s32 @!p0 $0xFFFFFF00  }
0x4b: {  	_ =	sfence.sel $0x180000  }
0x4c: {  	[bflag:$0x0] =	sbarrier.arrive $0xFFFF  }
0x4d: {  	p0 =	sne.s32 s1, $0x0;
	_ =	strace $0x9000004A  }
0x4e: {  	s0 =	sadd.s32 @!p0 $0x100000, s0;
	[bflag:$0x2] =	sbarrier.arrive $0xFFFF  }
0x4f: {  	[sflag:s0] =	ssyncadd.tile.s32 @!p0 $0x1;
	_ =	shalt  }
.Lfunc_end2:
_tile_overlayer_lowered:
.L_overlay_start_2:
0x50: {  	(tag) =	ssettag $0x2  }
0x51: {  	s0 =	rddreg [dreg:$0x0];
	s2 =	stileid.u32  }
0x52: {  	s1 =	rddreg [dreg:$0x1];
	p0 =	sne.s32 s2, $0x0  }
0x53: {  	s3 =	rddreg [dreg:$0x2];
	[bflag:$0x3] =	sbarrier.arrive $0xFFFF;
	s2 =	simm.s32 @!p0 $0x1C01  }
0x54: {  	[timem:s3], [sflag:s2] =	dma.local @!p0 [hbm:s0], s1  }
0x55: {  	s0 =	simm.s32 @!p0 $0x1  }
0x56: {  	_ =	swait.ge @!p0 [sflag:s0], s1  }
0x57: {  	s1 =	ssub.s32 @!p0 $0x0, s1;
	[sflag:s0] =	ssyncset.done @!p0 $0x0  }
0x58: {  	[sflag:s0] =	ssyncadd.s32 @!p0 s1  }
0x59: {  	[bflag:$0x3] =	sbarrier.arrive $0xFFFF  }
0x5a: {  	_ =	shalt  }

// kernel: kernel.7.cloned.1.call-start
scs
__scs_entry_jumppad:
0x0: {  	(pc) =	sbr.rel $0x88, $3  }
0x1: {  	(tag) =	ssettag $0x0;
	lr =	simm.s32 $0x1  }
0x2: {  	[smem:$0x3F94] =	sst lr;
	_ =	strace $0xD0000000  }
0x3: {  	_ = 	snop  }
0x4: {  	_ = 	snop  }
0x5: {  	_ = 	snop  }
0x6: {  	_ = 	snop  }
0x7: {  	_ = 	snop  }
__scs_overlays_trampoline_lowered:
0x8: {  	[smem:$0x3FA3] =	sst s0  }
0x9: {  	[smem:$0x3FA4] =	sst s1  }
0xa: {  	[smem:$0x3FA5] =	sst s2  }
0xb: {  	[smem:$0x3FA6] =	sst s3  }
0xc: {  	[smem:$0x3FA7] =	sst s4  }
0xd: {  	[smem:$0x3FA8] =	sst s5  }
0xe: {  	[smem:$0x3FA9] =	sst s6  }
0xf: {  	[smem:$0x3FAA] =	sst s7  }
0x10: {  	[smem:$0x3FAB] =	sst s8  }
0x11: {  	[smem:$0x3FAC] =	sst s9;
	s0 =	simm.s32 @!p0 $0x0  }
0x12: {  	s1 =	sld [smem:$0x3F92];
	s0 =	simm.s32 @p0 $0x1  }
0x13: {  	[smem:$0x3FAD] =	sst s0;
	s0 =	simm.s32 @!p1 $0x0  }
0x14: {  	s2 =	sld [smem:$0x3F91];
	s0 =	simm.s32 @p1 $0x1  }
0x15: {  	[smem:$0x3FAE] =	sst s0;
	s0 =	simm.s32 @!p2 $0x0  }
0x16: {  	s3 =	sld [smem:$0x3FDB];
	s0 =	simm.s32 @p2 $0x1  }
0x17: {  	s4 =	simm.s32 $0x1BF5;
	[smem:$0x3FB0] =	sst s0  }
0x18: {  	s0 =	sld [smem:$0x3F93];
	_ =	swait.ge [sflag:s4], $0x0  }
0x19: {  	s7 =	sld [smem:$0x3F94]  }
0x1a: {  	s8 =	sadd.s32 $0xFFFFE003, lr  }
0x1b: {  	s9 =	sadd.s32 $0xFFFFFEF7, lr;
	s5 =	simm.s32 $0xFFFFFFFF;
	p2 =	slt.u32 s8, $0xFFFFF086  }
0x1c: {  	p1 =	slt.u32 s9, $0xF7A;
	s5 =	simm.s32 @!p2 $0x0  }
0x1d: {  	s5 =	simm.s32 @p1 $0x1;
	p0 =	seq.s32 s7, s2  }
0x1e: {  	s7 =	smul.u32 @!p0 $0xF7A, s2;
	p2 =	seq.s32 @!p0 s5, $0x0  }
0x1f: {  	s9 =	smul.u32 $0xF7A, s1;
	s8 =	simm.s32 @!p0 $0x1BF5;
	p2 =	por !p2, p0  }
0x20: {  	[sflag:s8] =	ssyncset.s32 @!p0 $0xFFFFF086;
	s6 =	sadd.s32 @!p0 s3, s7;
	s7 =	simm.s32 @!p0 $0x108  }
0x21: {  	s3 =	sadd.s32 s3, s9;
	s6 =	sadd.s32 @!p0 $0x88, s6;
	s7 =	simm.s32 @p2 $0x1082  }
0x22: {  	[simem:s7], [sflag:s8] =	dma.local @!p0 [hbm:s6], $0xF7A  }
0x23: {  	s9 =	sor.u32 $0xD0000000, s2;
	s6 =	simm.s32 $0x108;
	_ =	swait.ge @!p0 [sflag:s8], $0x0  }
0x24: {  	s3 =	sadd.s32 $0x88, s3;
	s6 =	simm.s32 @!p1 $0x1082;
	[sflag:s4] =	ssyncset.s32 $0xFFFFF086  }
0x25: {  	[simem:s6], [sflag:s4] =	dma.local [hbm:s3], $0xF7A  }
0x26: {  	[smem:$0x3F94] =	sst s1;
	(tag) =	ssettag s2;
	_ =	strace s9  }
0x27: {  	s1 =	sld [smem:$0x3FA4]  }
0x28: {  	s2 =	sld [smem:$0x3FA5]  }
0x29: {  	s4 =	sld [smem:$0x3FA7]  }
0x2a: {  	p0 =	seq.s32 s5, $0x0;
	s5 =	sld [smem:$0x3FA8]  }
0x2b: {  	s6 =	sld [smem:$0x3FA9]  }
0x2c: {  	s7 =	sld [smem:$0x3FAA]  }
0x2d: {  	s3 =	simm.s32 $0x108;
	s8 =	sld [smem:$0x3FAB]  }
0x2e: {  	s3 =	simm.s32 @!p0 $0x1082;
	s9 =	sld [smem:$0x3FAC]  }
0x2f: {  	lr =	sadd.s32 s0, s3;
	s0 =	sld [smem:$0x3FA3]  }
0x30: {  	s3 =	sld [smem:$0x3FA6]  }
0x31: {  	[smem:$0x3FAF] =	sst s10  }
0x32: {  	s10 =	sld [smem:$0x3FAD];
	_ =	sdelay $0x3  }
0x33: {  	p0 =	seq.s32 s10, $0x1;
	s10 =	sld [smem:$0x3FAF];
	_ =	sdelay $0x3  }
0x34: {  	[smem:$0x3FAF] =	sst s10  }
0x35: {  	s10 =	sld [smem:$0x3FAE];
	_ =	sdelay $0x3  }
0x36: {  	p1 =	seq.s32 s10, $0x1;
	s10 =	sld [smem:$0x3FAF];
	_ =	sdelay $0x3  }
0x37: {  	[smem:$0x3FAF] =	sst s10  }
0x38: {  	s10 =	sld [smem:$0x3FB0]  }
0x39: {  	_ = 	snop;
	(pc) =	sbr.ind lr, $3  }
0x3a: {  	_ = 	snop  }
0x3b: {  	_ = 	snop  }
0x3c: {  	p2 =	seq.s32 s10, $0x1;
	s10 =	sld [smem:$0x3FAF]  }
0x3d: {  	_ =	shalt  }
0x3e: {  	_ =	shalt  }
0x3f: {  	_ =	shalt  }
0x40: {  	_ =	shalt  }
0x41: {  	_ =	shalt  }
0x42: {  	_ =	shalt  }
0x43: {  	_ =	shalt  }
0x44: {  	_ =	shalt  }
0x45: {  	_ =	shalt  }
0x46: {  	_ =	shalt  }
0x47: {  	_ =	shalt  }
0x48: {  	_ =	shalt  }
0x49: {  	_ =	shalt  }
0x4a: {  	_ =	shalt  }
0x4b: {  	_ =	shalt  }
0x4c: {  	_ =	shalt  }
0x4d: {  	_ =	shalt  }
0x4e: {  	_ =	shalt  }
0x4f: {  	_ =	shalt  }
0x50: {  	_ =	shalt  }
0x51: {  	_ =	shalt  }
0x52: {  	_ =	shalt  }
0x53: {  	_ =	shalt  }
0x54: {  	_ =	shalt  }
0x55: {  	_ =	shalt  }
0x56: {  	_ =	shalt  }
0x57: {  	_ =	shalt  }
0x58: {  	_ =	shalt  }
0x59: {  	_ =	shalt  }
0x5a: {  	_ =	shalt  }
0x5b: {  	_ =	shalt  }
0x5c: {  	_ =	shalt  }
0x5d: {  	_ =	shalt  }
0x5e: {  	_ =	shalt  }
0x5f: {  	_ =	shalt  }
0x60: {  	_ =	shalt  }
0x61: {  	_ =	shalt  }
0x62: {  	_ =	shalt  }
0x63: {  	_ =	shalt  }
0x64: {  	_ =	shalt  }
0x65: {  	_ =	shalt  }
0x66: {  	_ =	shalt  }
0x67: {  	_ =	shalt  }
0x68: {  	_ =	shalt  }
0x69: {  	_ =	shalt  }
0x6a: {  	_ =	shalt  }
0x6b: {  	_ =	shalt  }
0x6c: {  	_ =	shalt  }
0x6d: {  	_ =	shalt  }
0x6e: {  	_ =	shalt  }
0x6f: {  	_ =	shalt  }
0x70: {  	_ =	shalt  }
0x71: {  	_ =	shalt  }
0x72: {  	_ =	shalt  }
0x73: {  	_ =	shalt  }
0x74: {  	_ =	shalt  }
0x75: {  	_ =	shalt  }
0x76: {  	_ =	shalt  }
0x77: {  	_ =	shalt  }
0x78: {  	_ =	shalt  }
0x79: {  	_ =	shalt  }
0x7a: {  	_ =	shalt  }
0x7b: {  	_ =	shalt  }
0x7c: {  	_ =	shalt  }
0x7d: {  	_ =	shalt  }
0x7e: {  	_ =	shalt  }
0x7f: {  	_ =	shalt  }
0x80: {  	_ =	shalt  }
0x81: {  	_ =	shalt  }
0x82: {  	_ =	shalt  }
0x83: {  	_ =	shalt  }
0x84: {  	_ =	shalt  }
0x85: {  	_ =	shalt  }
0x86: {  	_ =	shalt  }
0x87: {  	_ =	shalt  }
.Lfunc_end0:
.L_simem_size_0:
called_computation_lowered:
.L_overlay_start_0:
0x88: {  	s2 =	sld [smem:$0x3FD9]  }
0x89: {  	s3 =	sld [smem:$0x3FFE];
	_ =	sdelay $0x1  }
0x8a: {  	s1 =	srdreg.scid  }
0x8b: {  	s0 =	sand.u32 $0x1, s1  }
0x8c: {  	s17 =	sshll.u32 s0, $0xA;
	s2 =	sadd.s32 s3, s2  }
0x8d: {  	s2 =	sadd.s32 s2, s17  }
0x8e: {  	[smem:$0x3FBB] =	sst s2  }
0x8f: {  	_ = 	snop  }
0x90: {  	s2 =	sld [smem:$0x3FD0];
	(tm) =	ssettm $0x1  }
0x91: {  	s18 =	sld [smem:$0x3FFB];
	_ =	sdelay $0x3  }
0x92: {  	_ =	strace s18  }
0x93: {  	s3 =	sld [smem:$0x3FFC];
	_ =	sdelay $0x3  }
0x94: {  	_ =	strace s3  }
0x95: {  	s3 =	sld [smem:$0x3FFD];
	_ =	sdelay $0x3  }
0x96: {  	_ =	strace s3  }
0x97: {  	_ =	strace $0x8FFFFFFF  }
0x98: {  	s19 =	sld [smem:$0x3FDB];
	_ =	sdelay $0x1  }
0x99: {  	s4 =	simm.s32 $_scs_section_size  }
0x9a: {  	s5 =	simm.s32 $_size__tile_overlayer_lowered;
	s6 =	simm.s32 $_tile_overlayer_lowered  }
0x9b: {  	s22 =	simm.s32 $0x1BFF;
	s21 =	sshll.u32 s6, $0x1;
	s3 =	sadd.s32 s4, s19  }
0x9c: {  	s7 =	simm.s32 $0x0;
	s20 =	sshll.u32 s5, $0x1;
	s5 =	sadd.s32 s21, s3  }
0x9d: {  	[timem:s7], [sflag:s22] =	dma.local [hbm:s5], s20  }
0x9e: {  	_ =	swait.ge [sflag:s22], s20  }
0x9f: {  	s4 =	ssub.s32 $0x0, s20;
	[sflag:s22] =	ssyncset.done $0x0  }
0xa0: {  	[sflag:s22] =	ssyncadd.s32 s4;
	_ =	sdelay $0x1  }
0xa1: {  	s23 =	simm.s32 $0x1B8B  }
0xa2: {  	_ =	swait.ge [sflag:s23], $0x1  }
0xa3: {  	[sflag:s23] =	ssyncset.done $0x0  }
0xa4: {  	s25 =	simm.s32 $0x1B8E;
	s24 =	sld [smem:$0x3FFE];
	[sflag:s23] =	ssyncadd.s32 $0xFFFFFFFF  }
0xa5: {  	s26 =	simm.s32 $execute0_lowered;
	[smem:$0x3FD2] =	sst s25  }
0xa6: {  	s5 =	sshll.u32 s26, $0x1;
	_ =	strace $0x80000046;
	[dreg:$0x1] =	wrdreg $0xFFFFFFFF  }
0xa7: {  	s28 =	simm.s32 $_size_execute0_lowered;
	s3 =	sadd.s32 s3, s5;
	[dreg:$0x0] =	wrdreg $0x0  }
0xa8: {  	s5 =	sshll.u32 s28, $0x1;
	[dreg:$0x2] =	wrdreg s3  }
0xa9: {  	[dreg:$0x3] =	wrdreg s5  }
0xaa: {  	[dreg:$0x4] =	wrdreg $0xC0  }
0xab: {  	_ =	task [dreg:s7], $0x5FFFF  }
0xac: {  	[dreg:$0x1] =	wrdreg $0xFFFFFFFF  }
0xad: {  	[dreg:$0x0] =	wrdreg $0x60  }
0xae: {  	[dreg:$0x2] =	wrdreg s2  }
0xaf: {  	[dreg:$0x3] =	wrdreg s24  }
0xb0: {  	[dreg:$0x4] =	wrdreg $0x9  }
0xb1: {  	_ =	task.clear_ibuf [dreg:s7], $0x5FFFF;
	_ =	strace $0x90000046  }
0xb2: {  	s29 =	simm.s32 $0x9;
	_ =	strace $0x80000048  }
0xb3: {  	_ =	swait.ge [sflag:s29], $0x1  }
0xb4: {  	[sflag:s29] =	ssyncadd.s32 $0xFFFFFFFF  }
0xb5: {  	_ =	strace $0x90000048  }
0xb6: {  	_ =	sfence  }
0xb7: {  	s30 =	sld [smem:$0x0];
	_ =	sdelay $0x2  }
0xb8: {  	s31 =	sshll.u32 s1, $0xD;
	s1 =	sshrl.u32 s1, $0x2  }
0xb9: {  	s3 =	sand.u32 $0x4000, s31;
	s1 =	sadd.s32 s1, s30  }
0xba: {  	s0 =	sor.u32 s3, s0;
	s1 =	sshll.u32 s1, $0x11  }
0xbb: {  	s0 =	sor.u32 s1, s0  }
0xbc: {  	s0 =	sadd.s32 $0x8F2B, s0  }
0xbd: {  	[sflag:s0] =	ssyncadd.remote.s32 $0x1  }
0xbe: {  	_ =	sfence.sel $0xFFFF  }
0xbf: {  	[dreg:$0x0] =	wrdreg $0xFFFFFFFF;
	(pc) =	sbr.abs _section_cstart, $3  }
0xc0: {  	[dreg:$0x1] =	wrdreg $0xFFFFFFFF  }
0xc1: {  	_ =	task.clear_ibuf [dreg:s7], $0x2FFFF;
	_ =	strace $0x9FFFFFFF  }
0xc2: {  	(tm) =	ssettm $0x7FFFFFFF  }
0xc3: {  	_ =	shalt  }
tec
execute0_lowered:
.L_overlay_start_1:
0x0: {  	(tag) =	ssettag $0x1  }
0x1: {  	s1 =	rddreg [dreg:$0x0]  }
0x2: {  	s7 =	rddreg [dreg:$0x1]  }
0x3: {  	s0 =	rddreg [dreg:$0x2];
	s2 =	simm.s32 $0x0  }
0x4: {  	s5 =	srdreg.scid;
	s3 =	stileid.u32;
	s12 =	simm.s32 $0x50  }
0x5: {  	s13 =	simm.s32 $0x100;
	s14 =	simm.s32 $0x2900;
	s15 =	simm.s32 $0x1  }
0x6: {  	s16 =	simm.s32 $0x2;
	s17 =	simm.s32 $0x0;
	[smem:$0x7FF] =	sst s2  }
0x7: {  	s4 =	sadd.s32 $0x15E00, s7;
	s8 =	sand.u32 $0x1, s5;
	s5 =	sadd.s32 $0x2200, s7  }
0x8: {  	s10 =	sshll.u32 s3, $0x1;
	s6 =	sadd.s32 $0xC000, s7;
	s9 =	ssub.s32 $0x2, s8  }
0x9: {  	s7 =	sadd.s32 $0x3D000, s7;
	_ =	strace $0x80000047;
	s11 =	sshrl.u32 s9, $0x1  }
0xa: {  	s8 =	sor.u32 s8, s10;
	s10 =	simm.s32 $0x3;
	s9 =	ssub.s32 s9, s11  }
0xb: {  	s8 =	smul.u32 $0x2710, s8;
	s11 =	simm.s32 $0x80;
	s9 =	smax.u32 s9, $0x1  }
.LBB2_1:
0xc: {  	s18 =	simm.s32 $0x0  }
.LBB2_2:
0xd: {  	s19 =	smul.u32 $0x50, s18;
	_ =	sdelay $0x1  }
0xe: {  	s19 =	sadd.s32 s8, s19  }
0xf: {  	s20 =	sshrl.u32 s19, $0x3  }
0x10: {  	s22 =	simm.s32 $0x0;
	s21 =	sadd.s32 s5, s20  }
0x11: {  	[tilespmem:s22], [sflag:$0x3] =	stream.linear.gather [hbm4b:s21+s22], $0x50, $0x38;
	[tilespmem:$0x5100] =	vst v63  }
0x12: {  	_ =	swait.ge [sflag:s10], $0x50  }
0x13: {  	[sflag:s10] =	ssyncset.done $0x0  }
0x14: {  	s20 =	sadd.s32 s6, s20;
	[sflag:s10] =	ssyncadd.s32 $0xFFFFFFB0  }
0x15: {  	[tilespmem:s11], [sflag:$0x3] =	stream.linear.gather [hbm4b:s20+s22], $0x50, $0x38;
	[tilespmem:$0x5100] =	vst v63  }
0x16: {  	_ =	swait.ge [sflag:s10], $0x50  }
0x17: {  	[sflag:s10] =	ssyncset.done $0x0  }
0x18: {  	[sflag:s10] =	ssyncadd.s32 $0xFFFFFFB0  }
0x19: {  	[tilespmem:s13], [sflag:$0x1] =	stream.indirect.gather [hbm4b:s1+s12], $0x80, s22, s12, $0xb8;
	[tilespmem:$0x5100] =	vst v63  }
0x1a: {  	_ = 	snop  }
0x1b: {  	[tilespmem:s14], [sflag:$0x2] =	stream.indirect.gather [hbm4b:s4+s12], $0x80, s11, s12, $0xb8;
	[tilespmem:$0x5100] =	vst v63  }
0x1c: {  	_ =	swait.ge [sflag:s15], $0x2800  }
0x1d: {  	[sflag:s15] =	ssyncset.done $0x0  }
0x1e: {  	[sflag:s15] =	ssyncadd.s32 $0xFFFFD800  }
0x1f: {  	_ =	swait.ge [sflag:s16], $0x2800  }
0x20: {  	[sflag:s16] =	ssyncset.done $0x0  }
0x21: {  	s20 =	simm.s32 $0x0;
	[sflag:s16] =	ssyncadd.s32 $0xFFFFD800  }
0x22: {  	v7 =	vld [tilespmem:s20+$0x2900]  }
0x23: {  	v11 =	vld [tilespmem:s20+$0x2910]  }
0x24: {  	v5 =	vld [tilespmem:s20+$0x2920]  }
0x25: {  	v4 =	vld [tilespmem:s20+$0x2930]  }
0x26: {  	v3 =	vld [tilespmem:s20+$0x2940]  }
0x27: {  	v2 =	vld [tilespmem:s20+$0x2950]  }
0x28: {  	v1 =	vld [tilespmem:s20+$0x2960]  }
0x29: {  	v0 =	vld [tilespmem:s20+$0x2970]  }
0x2a: {  	v12 =	vld [tilespmem:s20+$0x100]  }
0x2b: {  	v13 =	vld [tilespmem:s20+$0x110]  }
0x2c: {  	v10 =	vld [tilespmem:s20+$0x120]  }
0x2d: {  	v9 =	vld [tilespmem:s20+$0x130]  }
0x2e: {  	v8 =	vld [tilespmem:s20+$0x140]  }
0x2f: {  	v6 =	vld [tilespmem:s20+$0x150];
	v12 =	vadd.f32 v7, v12  }
0x30: {  	s21 =	simm.s32 $0x200;
	v11 =	vadd.f32 v11, v13;
	v7 =	vld [tilespmem:s20+$0x160]  }
.LBB2_3:
0x31: {  	s22 =	sshra.s32 s21, $0x2;
	p0 =	sne.s32 s21, $0x9E00;
	[tilespmem:s20+$0x100] =	vst v12;
	v5 =	vadd.f32 v5, v10;
	v10 =	vld [tilespmem:s20+$0x170]  }
0x32: {  	v12 =	vld [tilespmem:s22+$0x2900];
	[tilespmem:s20+$0x110] =	vst v11;
	v4 =	vadd.f32 v4, v9  }
0x33: {  	v11 =	vld [tilespmem:s22+$0x2910];
	[tilespmem:s20+$0x120] =	vst v5;
	v3 =	vadd.f32 v3, v8  }
0x34: {  	v5 =	vld [tilespmem:s22+$0x2920];
	[tilespmem:s20+$0x130] =	vst v4;
	v2 =	vadd.f32 v2, v6  }
0x35: {  	v4 =	vld [tilespmem:s22+$0x2930];
	[tilespmem:s20+$0x140] =	vst v3;
	v1 =	vadd.f32 v1, v7  }
0x36: {  	v3 =	vld [tilespmem:s22+$0x2940];
	[tilespmem:s20+$0x150] =	vst v2;
	v0 =	vadd.f32 v0, v10  }
0x37: {  	v2 =	vld [tilespmem:s22+$0x2950];
	[tilespmem:s20+$0x160] =	vst v1  }
0x38: {  	v1 =	vld [tilespmem:s22+$0x2960];
	[tilespmem:s20+$0x170] =	vst v0;
	s20 =	smov.u32 s22  }
0x39: {  	v0 =	vld [tilespmem:s20+$0x2970]  }
0x3a: {  	v6 =	vld [tilespmem:s20+$0x100]  }
0x3b: {  	v7 =	vld [tilespmem:s20+$0x110]  }
.Ltmp0:
0x3c: {  	v10 =	vld [tilespmem:s20+$0x120];
	(pc) =	sbr.rel @p0 .LBB2_3-.Ltmp0, $4  }
0x3d: {  	v9 =	vld [tilespmem:s20+$0x130]  }
0x3e: {  	v8 =	vld [tilespmem:s20+$0x140]  }
0x3f: {  	v12 =	vadd.f32 v12, v6;
	v6 =	vld [tilespmem:s20+$0x150]  }
0x40: {  	s21 =	sadd.s32 $0x200, s21;
	v11 =	vadd.f32 v11, v7;
	v7 =	vld [tilespmem:s20+$0x160]  }
0x41: {  	[tilespmem:s20+$0x100] =	vst v12;
	v5 =	vadd.f32 v5, v10;
	v63 =	vld [tilespmem:s20+$0x170]  }
0x42: {  	[tilespmem:s20+$0x110] =	vst v11;
	v4 =	vadd.f32 v4, v9  }
0x43: {  	[tilespmem:s20+$0x120] =	vst v5;
	v3 =	vadd.f32 v3, v8  }
0x44: {  	[tilespmem:s20+$0x130] =	vst v4;
	v2 =	vadd.f32 v2, v6  }
0x45: {  	[tilespmem:s20+$0x140] =	vst v3;
	v1 =	vadd.f32 v1, v7  }
0x46: {  	s18 =	sadd.s32 $0x1, s18;
	[tilespmem:s20+$0x150] =	vst v2;
	v0 =	vadd.f32 v0, v63  }
0x47: {  	s19 =	sshll.u32 s19, $0x4;
	p0 =	sne.s32 s18, $0x7D;
	[tilespmem:s20+$0x160] =	vst v1  }
.Ltmp1:
0x48: {  	s19 =	sadd.s32 s7, s19;
	[tilespmem:s20+$0x170] =	vst v0;
	(pc) =	sbr.rel @p0 .LBB2_2-.Ltmp1, $4  }
0x49: {  	[hbm4b:s19+s2] =	stream.linear.scatter [tilespmem:s13], [sflag:$0x3], $0x2800, $0x38;
	[tilespmem:$0x5100] =	vst v63  }
0x4a: {  	_ =	swait.ge [sflag:s10], $0x2800  }
0x4b: {  	[sflag:s10] =	ssyncset.done $0x0  }
0x4c: {  	[sflag:s10] =	ssyncadd.s32 $0xFFFFD800  }
0x4d: {  	s17 =	sadd.s32 $0x1, s17  }
0x4e: {  	p0 =	sne.s32 s17, s9  }
.Ltmp2:
0x4f: {  	_ = 	snop;
	(pc) =	sbr.rel @p0 .LBB2_1-.Ltmp2, $1  }
0x50: {  	_ =	sdelay $0x3  }
0x51: {  	_ =	sfence.sel $0x180000  }
0x52: {  	[bflag:$0x0] =	sbarrier.arrive $0xFFFF  }
0x53: {  	p0 =	sne.s32 s3, $0x0;
	_ =	strace $0x90000047  }
0x54: {  	s0 =	sadd.s32 @!p0 $0x100000, s0;
	[bflag:$0x2] =	sbarrier.arrive $0xFFFF  }
0x55: {  	[sflag:s0] =	ssyncadd.tile.s32 @!p0 $0x1;
	_ =	shalt  }
.Lfunc_end2:
_tile_overlayer_lowered:
.L_overlay_start_2:
0x56: {  	(tag) =	ssettag $0x2  }
0x57: {  	s0 =	rddreg [dreg:$0x0];
	s2 =	stileid.u32  }
0x58: {  	s1 =	rddreg [dreg:$0x1];
	p0 =	sne.s32 s2, $0x0  }
0x59: {  	s3 =	rddreg [dreg:$0x2];
	[bflag:$0x3] =	sbarrier.arrive $0xFFFF;
	s2 =	simm.s32 @!p0 $0x1C03  }
0x5a: {  	[timem:s3], [sflag:s2] =	dma.local @!p0 [hbm:s0], s1  }
0x5b: {  	s0 =	simm.s32 @!p0 $0x3  }
0x5c: {  	_ =	swait.ge @!p0 [sflag:s0], s1  }
0x5d: {  	s1 =	ssub.s32 @!p0 $0x0, s1;
	[sflag:s0] =	ssyncset.done @!p0 $0x0  }
0x5e: {  	[sflag:s0] =	ssyncadd.s32 @!p0 s1  }
0x5f: {  	[bflag:$0x3] =	sbarrier.arrive $0xFFFF  }
0x60: {  	_ =	shalt  }

</sc_bundles>
